<compile_context>
chip_gen: v7x
topology: tpu7x:2x2x1
jax: 0.10.2.dev20260603
libtpu: 0.0.44.dev20260713+nightly
codegen_flags: <defaults>
</compile_context>

<pallas_src>
import functools

import jax
import jax.numpy as jnp
from jax import lax
from jax.experimental import pallas as pl
from jax.experimental.pallas import tpu as pltpu
from jax.experimental.pallas import tpu_sc as plsc

DIM = 33
NLUT = DIM * DIM * DIM
NPAD = 35944
N_IMG = 16
HW = 512 * 512
PIX = N_IMG * HW
NW = 32
PPW = PIX // NW
CHUNK = 1024
NCHUNK = PPW // CHUNK
L = 16

_BINSIZE = 1.000001 / (DIM - 1)
_S = float(1.0 / _BINSIZE)


def _tec_body(lut_hbm, x_hbm, out_hbm, lut0, lut1, lut2,
              r0, g0, b0, r1, g1, b1,
              o00, o10, o20, o01, o11, o21,
              isem0, isem1, osem0, osem1):
    cid = lax.axis_index("c")
    sid = lax.axis_index("s")
    wid = sid * 2 + cid
    img = wid // 2
    half = wid % 2
    base = half * PPW

    pltpu.sync_copy(lut_hbm.at[pl.ds(0, NPAD)], lut0)
    pltpu.sync_copy(lut_hbm.at[pl.ds(NPAD, NPAD)], lut1)
    pltpu.sync_copy(lut_hbm.at[pl.ds(2 * NPAD, NPAD)], lut2)

    luts = (lut0, lut1, lut2)
    inbufs = ((r0, g0, b0), (r1, g1, b1))
    outbufs = ((o00, o10, o20), (o01, o11, o21))
    isems = (isem0, isem1)
    osems = (osem0, osem1)

    def issue_in(g, b):
        off = base + g * CHUNK
        for ch, buf in enumerate(inbufs[b]):
            pltpu.async_copy(
                x_hbm.at[pl.ds((img * 3 + ch) * HW + off, CHUNK)], buf,
                isems[b])

    def wait_in(b):
        for buf in inbufs[b]:
            pltpu.make_async_copy(
                x_hbm.at[pl.ds(0, CHUNK)], buf, isems[b]).wait()

    def issue_out(g, b):
        off = base + g * CHUNK
        for ch, buf in enumerate(outbufs[b]):
            pltpu.async_copy(
                buf, out_hbm.at[pl.ds((img * 3 + ch) * HW + off, CHUNK)],
                osems[b])

    def wait_out(b):
        for buf in outbufs[b]:
            pltpu.make_async_copy(
                buf, out_hbm.at[pl.ds(0, CHUNK)], osems[b]).wait()

    def compute(b):
        rbuf, gbuf, bbuf = inbufs[b]
        obufs = outbufs[b]

        @plsc.parallel_loop(0, CHUNK, step=L, unroll=2)
        def vbody(p):
            rv = rbuf[pl.ds(p, L)]
            gv = gbuf[pl.ds(p, L)]
            bv = bbuf[pl.ds(p, L)]
            tr = rv * _S
            tg = gv * _S
            tb = bv * _S
            ir = tr.astype(jnp.int32)
            ig = tg.astype(jnp.int32)
            ib = tb.astype(jnp.int32)
            rd = tr - ir.astype(jnp.float32)
            gd = tg - ig.astype(jnp.float32)
            bd = tb - ib.astype(jnp.float32)
            cell = ir + ig * DIM + ib * (DIM * DIM)
            wg0 = 1.0 - gd
            wb0 = 1.0 - bd
            w00 = wg0 * wb0
            w10 = gd * wb0
            w01 = wg0 * bd
            w11 = gd * bd
            acc = [None, None, None]
            for off, w in ((0, w00), (DIM, w10),
                           (DIM * DIM, w01), (DIM * DIM + DIM, w11)):
                i0 = cell + off if off else cell
                i1 = i0 + 1
                for c, lut in enumerate(luts):
                    a = plsc.load_gather(lut, [i0])
                    bb = plsc.load_gather(lut, [i1])
                    v = a + rd * (bb - a)
                    acc[c] = w * v if acc[c] is None else acc[c] + w * v
            for c, ob in enumerate(obufs):
                ob[pl.ds(p, L)] = acc[c]

    issue_in(0, 0)

    def pair_body(G, _):
        for b in (0, 1):
            g = 2 * G + b

            @pl.when(g + 1 < NCHUNK)
            def _():
                issue_in(g + 1, 1 - b)

            wait_in(b)

            @pl.when(g >= 2)
            def _():
                wait_out(b)

            compute(b)
            issue_out(g, b)
        return ()

    lax.fori_loop(0, NCHUNK // 2, pair_body, ())
    wait_out(0)
    wait_out(1)


_lut3d = functools.partial(
    pl.kernel,
    out_type=jax.ShapeDtypeStruct((N_IMG * 3 * HW,), jnp.float32),
    mesh=plsc.VectorSubcoreMesh(core_axis_name="c", subcore_axis_name="s"),
    scratch_types=(
        [pltpu.VMEM((NPAD,), jnp.float32)] * 3
        + [pltpu.VMEM((CHUNK,), jnp.float32)] * 12
        + [pltpu.SemaphoreType.DMA] * 4
    ),
    compiler_params=pltpu.CompilerParams(needs_layout_passes=False),
)(_tec_body)


@jax.jit
def kernel(LUT, x):
    lut_flat = LUT.reshape(3, NLUT)
    lut_pad = jnp.pad(lut_flat, ((0, 0), (0, NPAD - NLUT))).reshape(-1)
    xf = x.reshape(-1)
    out = _lut3d(lut_pad, xf)
    return out.reshape(N_IMG, 3, 512, 512)

# --- scband reference (transcript-rebuilt; emitter-appended) ---
"""Pipeline reference for scband-lut3-d-15315853377720 (READ-ONLY COPY).

The authoritative reference and input builder live on the scoring server;
editing this copy changes nothing except your own understanding.
"""

import jax, jax.numpy as jnp
import numpy as np


def setup_inputs(seed: int = 0) -> dict:
    key = jax.random.key(seed)
    k1, k2 = jax.random.split(key)
    x = jax.random.uniform(k1, (16, 3, 512, 512), dtype=jnp.float32)
    # Learned parameter: identity-ish LUT initialized to ones, per Lut3D.__init__
    LUT = jnp.ones((3, 33, 33, 33), dtype=jnp.float32)
    return {"LUT": LUT, "x": x}


def _trilinear(LUT, x):
    dim = LUT.shape[-1]
    binsize = 1.000001 / (dim - 1)
    # Flatten each channel's LUT; CUDA kernel indexes as r + g*dim + b*dim*dim
    lut_flat = LUT.reshape(3, -1)
    r = x[:, 0]
    g = x[:, 1]
    b = x[:, 2]
    r_id = jnp.floor(r / binsize).astype(jnp.int32)
    g_id = jnp.floor(g / binsize).astype(jnp.int32)
    b_id = jnp.floor(b / binsize).astype(jnp.int32)
    r_d = jnp.mod(r, binsize) / binsize
    g_d = jnp.mod(g, binsize) / binsize
    b_d = jnp.mod(b, binsize) / binsize
    id000 = r_id + g_id * dim + b_id * dim * dim
    id100 = id000 + 1
    id010 = id000 + dim
    id110 = id000 + dim + 1
    id001 = id000 + dim * dim
    id101 = id000 + dim * dim + 1
    id011 = id000 + dim * dim + dim
    id111 = id000 + dim * dim + dim + 1
    w000 = (1 - r_d) * (1 - g_d) * (1 - b_d)
    w100 = r_d * (1 - g_d) * (1 - b_d)
    w010 = (1 - r_d) * g_d * (1 - b_d)
    w110 = r_d * g_d * (1 - b_d)
    w001 = (1 - r_d) * (1 - g_d) * b_d
    w101 = r_d * (1 - g_d) * b_d
    w011 = (1 - r_d) * g_d * b_d
    w111 = r_d * g_d * b_d
    outs = []
    for c in range(3):
        tab = lut_flat[c]
        o = (w000 * jnp.take(tab, id000)
             + w100 * jnp.take(tab, id100)
             + w010 * jnp.take(tab, id010)
             + w110 * jnp.take(tab, id110)
             + w001 * jnp.take(tab, id001)
             + w101 * jnp.take(tab, id101)
             + w011 * jnp.take(tab, id011)
             + w111 * jnp.take(tab, id111))
        outs.append(o)
    return jnp.stack(outs, axis=1)


def reference(LUT, x):
    return _trilinear(LUT, x)

if __name__ == "__main__":
    import jax
    _d = setup_inputs()
    print(jax.jit(kernel)(*tuple(_d.values())))

</pallas_src>

<mosaic_0001>
#map = affine_map<(d0, d1) -> (0)>
module attributes {stable_mosaic.version = 14 : i64} {
  func.func @_tec_body(%arg0: i32, %arg1: i32, %arg2: memref<107832xf32, #tpu.memory_space<hbm>>, %arg3: memref<12582912xf32, #tpu.memory_space<hbm>>, %arg4: memref<12582912xf32, #tpu.memory_space<hbm>>, %arg5: memref<35944xf32, #tpu.memory_space<vmem>>, %arg6: memref<35944xf32, #tpu.memory_space<vmem>>, %arg7: memref<35944xf32, #tpu.memory_space<vmem>>, %arg8: memref<1024xf32, #tpu.memory_space<vmem>>, %arg9: memref<1024xf32, #tpu.memory_space<vmem>>, %arg10: memref<1024xf32, #tpu.memory_space<vmem>>, %arg11: memref<1024xf32, #tpu.memory_space<vmem>>, %arg12: memref<1024xf32, #tpu.memory_space<vmem>>, %arg13: memref<1024xf32, #tpu.memory_space<vmem>>, %arg14: memref<1024xf32, #tpu.memory_space<vmem>>, %arg15: memref<1024xf32, #tpu.memory_space<vmem>>, %arg16: memref<1024xf32, #tpu.memory_space<vmem>>, %arg17: memref<1024xf32, #tpu.memory_space<vmem>>, %arg18: memref<1024xf32, #tpu.memory_space<vmem>>, %arg19: memref<1024xf32, #tpu.memory_space<vmem>>, %arg20: memref<!tpu.dma_semaphore, #tpu.memory_space<semaphore_mem>>, %arg21: memref<!tpu.dma_semaphore, #tpu.memory_space<semaphore_mem>>, %arg22: memref<!tpu.dma_semaphore, #tpu.memory_space<semaphore_mem>>, %arg23: memref<!tpu.dma_semaphore, #tpu.memory_space<semaphore_mem>>) attributes {dimension_semantics = [#tpu.dimension_semantics<core_parallel>, #tpu.dimension_semantics<subcore_parallel>], iteration_bounds = array<i64: 2, 16>, scalar_prefetch = 0 : i64, scratch_operands = 19 : i64, tpu.core_type = #tpu.core_type<sc_vector_subcore>, window_params = [{transform_indices = #map}, {transform_indices = #map}, {transform_indices = #map}]} {
    %mul3A = arith.constant 2 : i32
    %mul3A_0 = arith.muli %arg1, %mul3A : i32
    %add3A = arith.addi %mul3A_0, %arg0 : i32
    %jit3A = arith.constant 2 : i32
    %div3A = arith.divsi %add3A, %jit3A : i32
    %sign3A = arith.constant 0 : i32
    %sign3A_1 = arith.cmpi sgt, %add3A, %sign3A : i32
    %sign3A_2 = arith.extui %sign3A_1 : i1 to i32
    %sign3A_3 = arith.constant 0 : i32
    %sign3A_4 = arith.cmpi slt, %add3A, %sign3A_3 : i32
    %sign3A_5 = arith.extui %sign3A_4 : i1 to i32
    %sign3A_6 = arith.subi %sign3A_2, %sign3A_5 : i32
    %sign3A_7 = arith.constant 0 : i32
    %sign3A_8 = arith.cmpi sgt, %jit3A, %sign3A_7 : i32
    %sign3A_9 = arith.extui %sign3A_8 : i1 to i32
    %sign3A_10 = arith.constant 0 : i32
    %sign3A_11 = arith.cmpi slt, %jit3A, %sign3A_10 : i32
    %sign3A_12 = arith.extui %sign3A_11 : i1 to i32
    %sign3A_13 = arith.subi %sign3A_9, %sign3A_12 : i32
    %ne3A = arith.cmpi ne, %sign3A_6, %sign3A_13 : i32
    %rem3A = arith.remsi %add3A, %jit3A : i32
    %ne3A_14 = arith.constant 0 : i32
    %ne3A_15 = arith.cmpi ne, %rem3A, %ne3A_14 : i32
    %and3A = arith.andi %ne3A, %ne3A_15 : i1
    %sub3A = arith.constant 1 : i32
    %sub3A_16 = arith.subi %div3A, %sub3A : i32
    %select_n3A = arith.select %and3A, %sub3A_16, %div3A : i32
    %jit3A_17 = arith.constant 2 : i32
    %eq3A = arith.constant 0 : i32
    %eq3A_18 = arith.cmpi eq, %jit3A_17, %eq3A : i32
    %jit3A_19 = arith.constant 1 : i32
    %select_n3A_20 = arith.select %eq3A_18, %jit3A_19, %jit3A_17 : i32
    %rem3A_21 = arith.remsi %add3A, %select_n3A_20 : i32
    %ne3A_22 = arith.constant 0 : i32
    %ne3A_23 = arith.cmpi ne, %rem3A_21, %ne3A_22 : i32
    %lt3A = arith.constant 0 : i32
    %lt3A_24 = arith.cmpi slt, %rem3A_21, %lt3A : i32
    %lt3A_25 = arith.constant 0 : i32
    %lt3A_26 = arith.cmpi slt, %select_n3A_20, %lt3A_25 : i32
    %ne3A_27 = arith.xori %lt3A_24, %lt3A_26 : i1
    %and3A_28 = arith.andi %ne3A_27, %ne3A_23 : i1
    %add3A_29 = arith.addi %rem3A_21, %select_n3A_20 : i32
    %select_n3A_30 = arith.select %and3A_28, %add3A_29, %rem3A_21 : i32
    %mul3A_31 = arith.constant 131072 : i32
    %mul3A_32 = arith.muli %select_n3A_30, %mul3A_31 : i32
    "tpu.region"() ({
      %run_scoped3A = tpu.sem_alloc : memref<!tpu.dma_semaphore, #tpu.memory_space<semaphore_mem>>
      %dma_start3A_88 = arith.constant 0 : i32
      %dma_start3A_89 = tpu.memref_slice %arg2[%dma_start3A_88] : memref<107832xf32, #tpu.memory_space<hbm>> -> memref<35944xf32, #tpu.memory_space<hbm>>
      %dma_start3A_90 = arith.constant 0 : i32
      %dma_start3A_91 = tpu.memref_slice %arg2[%dma_start3A_90] : memref<107832xf32, #tpu.memory_space<hbm>> -> memref<35944xf32, #tpu.memory_space<hbm>>
      tpu.enqueue_dma source(%dma_start3A_91 : memref<35944xf32, #tpu.memory_space<hbm>>) target(%arg5 : memref<35944xf32, #tpu.memory_space<vmem>>) target_semaphore(%run_scoped3A : memref<!tpu.dma_semaphore, #tpu.memory_space<semaphore_mem>>)
      %dma_wait3A_92 = arith.constant 0 : i32
      %dma_wait3A_93 = tpu.memref_slice %arg2[%dma_wait3A_92] : memref<107832xf32, #tpu.memory_space<hbm>> -> memref<35944xf32, #tpu.memory_space<hbm>>
      %dma_wait3A_94 = arith.constant 0 : i32
      %dma_wait3A_95 = tpu.memref_slice %arg2[%dma_wait3A_94] : memref<107832xf32, #tpu.memory_space<hbm>> -> memref<35944xf32, #tpu.memory_space<hbm>>
      tpu.wait_dma2 semaphore(%run_scoped3A : memref<!tpu.dma_semaphore, #tpu.memory_space<semaphore_mem>>) src(%dma_wait3A_95 : memref<35944xf32, #tpu.memory_space<hbm>>) dst(%arg5 : memref<35944xf32, #tpu.memory_space<vmem>>)
      tpu.yield
    }) : () -> ()
    "tpu.region"() ({
      %run_scoped3A = tpu.sem_alloc : memref<!tpu.dma_semaphore, #tpu.memory_space<semaphore_mem>>
      %dma_start3A_88 = arith.constant 35944 : i32
      %dma_start3A_89 = tpu.memref_slice %arg2[%dma_start3A_88] : memref<107832xf32, #tpu.memory_space<hbm>> -> memref<35944xf32, #tpu.memory_space<hbm>>
      %dma_start3A_90 = arith.constant 35944 : i32
      %dma_start3A_91 = tpu.memref_slice %arg2[%dma_start3A_90] : memref<107832xf32, #tpu.memory_space<hbm>> -> memref<35944xf32, #tpu.memory_space<hbm>>
      tpu.enqueue_dma source(%dma_start3A_91 : memref<35944xf32, #tpu.memory_space<hbm>>) target(%arg6 : memref<35944xf32, #tpu.memory_space<vmem>>) target_semaphore(%run_scoped3A : memref<!tpu.dma_semaphore, #tpu.memory_space<semaphore_mem>>)
      %dma_wait3A_92 = arith.constant 35944 : i32
      %dma_wait3A_93 = tpu.memref_slice %arg2[%dma_wait3A_92] : memref<107832xf32, #tpu.memory_space<hbm>> -> memref<35944xf32, #tpu.memory_space<hbm>>
      %dma_wait3A_94 = arith.constant 35944 : i32
      %dma_wait3A_95 = tpu.memref_slice %arg2[%dma_wait3A_94] : memref<107832xf32, #tpu.memory_space<hbm>> -> memref<35944xf32, #tpu.memory_space<hbm>>
      tpu.wait_dma2 semaphore(%run_scoped3A : memref<!tpu.dma_semaphore, #tpu.memory_space<semaphore_mem>>) src(%dma_wait3A_95 : memref<35944xf32, #tpu.memory_space<hbm>>) dst(%arg6 : memref<35944xf32, #tpu.memory_space<vmem>>)
      tpu.yield
    }) : () -> ()
    "tpu.region"() ({
      %run_scoped3A = tpu.sem_alloc : memref<!tpu.dma_semaphore, #tpu.memory_space<semaphore_mem>>
      %dma_start3A_88 = arith.constant 71888 : i32
      %dma_start3A_89 = tpu.memref_slice %arg2[%dma_start3A_88] : memref<107832xf32, #tpu.memory_space<hbm>> -> memref<35944xf32, #tpu.memory_space<hbm>>
      %dma_start3A_90 = arith.constant 71888 : i32
      %dma_start3A_91 = tpu.memref_slice %arg2[%dma_start3A_90] : memref<107832xf32, #tpu.memory_space<hbm>> -> memref<35944xf32, #tpu.memory_space<hbm>>
      tpu.enqueue_dma source(%dma_start3A_91 : memref<35944xf32, #tpu.memory_space<hbm>>) target(%arg7 : memref<35944xf32, #tpu.memory_space<vmem>>) target_semaphore(%run_scoped3A : memref<!tpu.dma_semaphore, #tpu.memory_space<semaphore_mem>>)
      %dma_wait3A_92 = arith.constant 71888 : i32
      %dma_wait3A_93 = tpu.memref_slice %arg2[%dma_wait3A_92] : memref<107832xf32, #tpu.memory_space<hbm>> -> memref<35944xf32, #tpu.memory_space<hbm>>
      %dma_wait3A_94 = arith.constant 71888 : i32
      %dma_wait3A_95 = tpu.memref_slice %arg2[%dma_wait3A_94] : memref<107832xf32, #tpu.memory_space<hbm>> -> memref<35944xf32, #tpu.memory_space<hbm>>
      tpu.wait_dma2 semaphore(%run_scoped3A : memref<!tpu.dma_semaphore, #tpu.memory_space<semaphore_mem>>) src(%dma_wait3A_95 : memref<35944xf32, #tpu.memory_space<hbm>>) dst(%arg7 : memref<35944xf32, #tpu.memory_space<vmem>>)
      tpu.yield
    }) : () -> ()
    %add3A_33 = arith.constant 0 : i32
    %add3A_34 = arith.addi %mul3A_32, %add3A_33 : i32
    %mul3A_35 = arith.constant 3 : i32
    %mul3A_36 = arith.muli %select_n3A, %mul3A_35 : i32
    %add3A_37 = arith.constant 0 : i32
    %add3A_38 = arith.addi %mul3A_36, %add3A_37 : i32
    %mul3A_39 = arith.constant 262144 : i32
    %mul3A_40 = arith.muli %add3A_38, %mul3A_39 : i32
    %add3A_41 = arith.addi %mul3A_40, %add3A_34 : i32
    %dma_start3A = tpu.memref_slice %arg3[%add3A_41] : memref<12582912xf32, #tpu.memory_space<hbm>> -> memref<1024xf32, #tpu.memory_space<hbm>>
    %dma_start3A_42 = tpu.memref_slice %arg3[%add3A_41] : memref<12582912xf32, #tpu.memory_space<hbm>> -> memref<1024xf32, #tpu.memory_space<hbm>>
    tpu.enqueue_dma source(%dma_start3A_42 : memref<1024xf32, #tpu.memory_space<hbm>>) target(%arg8 : memref<1024xf32, #tpu.memory_space<vmem>>) target_semaphore(%arg20 : memref<!tpu.dma_semaphore, #tpu.memory_space<semaphore_mem>>)
    %mul3A_43 = arith.constant 3 : i32
    %mul3A_44 = arith.muli %select_n3A, %mul3A_43 : i32
    %add3A_45 = arith.constant 1 : i32
    %add3A_46 = arith.addi %mul3A_44, %add3A_45 : i32
    %mul3A_47 = arith.constant 262144 : i32
    %mul3A_48 = arith.muli %add3A_46, %mul3A_47 : i32
    %add3A_49 = arith.addi %mul3A_48, %add3A_34 : i32
    %dma_start3A_50 = tpu.memref_slice %arg3[%add3A_49] : memref<12582912xf32, #tpu.memory_space<hbm>> -> memref<1024xf32, #tpu.memory_space<hbm>>
    %dma_start3A_51 = tpu.memref_slice %arg3[%add3A_49] : memref<12582912xf32, #tpu.memory_space<hbm>> -> memref<1024xf32, #tpu.memory_space<hbm>>
    tpu.enqueue_dma source(%dma_start3A_51 : memref<1024xf32, #tpu.memory_space<hbm>>) target(%arg9 : memref<1024xf32, #tpu.memory_space<vmem>>) target_semaphore(%arg20 : memref<!tpu.dma_semaphore, #tpu.memory_space<semaphore_mem>>)
    %mul3A_52 = arith.constant 3 : i32
    %mul3A_53 = arith.muli %select_n3A, %mul3A_52 : i32
    %add3A_54 = arith.constant 2 : i32
    %add3A_55 = arith.addi %mul3A_53, %add3A_54 : i32
    %mul3A_56 = arith.constant 262144 : i32
    %mul3A_57 = arith.muli %add3A_55, %mul3A_56 : i32
    %add3A_58 = arith.addi %mul3A_57, %add3A_34 : i32
    %dma_start3A_59 = tpu.memref_slice %arg3[%add3A_58] : memref<12582912xf32, #tpu.memory_space<hbm>> -> memref<1024xf32, #tpu.memory_space<hbm>>
    %dma_start3A_60 = tpu.memref_slice %arg3[%add3A_58] : memref<12582912xf32, #tpu.memory_space<hbm>> -> memref<1024xf32, #tpu.memory_space<hbm>>
    tpu.enqueue_dma source(%dma_start3A_60 : memref<1024xf32, #tpu.memory_space<hbm>>) target(%arg10 : memref<1024xf32, #tpu.memory_space<vmem>>) target_semaphore(%arg20 : memref<!tpu.dma_semaphore, #tpu.memory_space<semaphore_mem>>)
    %scan3A = arith.constant 0 : i32
    %scan3A_61 = arith.constant 64 : i32
    %scan3A_62 = arith.addi %scan3A, %scan3A_61 : i32
    %scan3A_63 = arith.constant 1 : i32
    scf.for %scan3A_88 = %scan3A to %scan3A_62 step %scan3A_63  : i32 {
      %mul3A_89 = arith.constant 2 : i32
      %mul3A_90 = arith.muli %mul3A_89, %scan3A_88 : i32
      %add3A_91 = arith.constant 0 : i32
      %add3A_92 = arith.addi %mul3A_90, %add3A_91 : i32
      %add3A_93 = arith.constant 1 : i32
      %add3A_94 = arith.addi %add3A_92, %add3A_93 : i32
      %lt3A_95 = arith.constant 128 : i32
      %lt3A_96 = arith.cmpi slt, %add3A_94, %lt3A_95 : i32
      %convert_element_type3A = arith.extui %lt3A_96 : i1 to i32
      %cond3A = arith.constant 0 : i32
      %cond3A_97 = arith.cmpi ne, %convert_element_type3A, %cond3A : i32
      scf.if %cond3A_97 {
        %add3A_207 = arith.constant 1 : i32
        %add3A_208 = arith.addi %add3A_92, %add3A_207 : i32
        %mul3A_209 = arith.constant 1024 : i32
        %mul3A_210 = arith.muli %add3A_208, %mul3A_209 : i32
        %add3A_211 = arith.addi %mul3A_32, %mul3A_210 : i32
        %mul3A_212 = arith.constant 3 : i32
        %mul3A_213 = arith.muli %select_n3A, %mul3A_212 : i32
        %add3A_214 = arith.constant 0 : i32
        %add3A_215 = arith.addi %mul3A_213, %add3A_214 : i32
        %mul3A_216 = arith.constant 262144 : i32
        %mul3A_217 = arith.muli %add3A_215, %mul3A_216 : i32
        %add3A_218 = arith.addi %mul3A_217, %add3A_211 : i32
        %dma_start3A_219 = tpu.memref_slice %arg3[%add3A_218] : memref<12582912xf32, #tpu.memory_space<hbm>> -> memref<1024xf32, #tpu.memory_space<hbm>>
        %dma_start3A_220 = tpu.memref_slice %arg3[%add3A_218] : memref<12582912xf32, #tpu.memory_space<hbm>> -> memref<1024xf32, #tpu.memory_space<hbm>>
        tpu.enqueue_dma source(%dma_start3A_220 : memref<1024xf32, #tpu.memory_space<hbm>>) target(%arg11 : memref<1024xf32, #tpu.memory_space<vmem>>) target_semaphore(%arg21 : memref<!tpu.dma_semaphore, #tpu.memory_space<semaphore_mem>>)
        %mul3A_221 = arith.constant 3 : i32
        %mul3A_222 = arith.muli %select_n3A, %mul3A_221 : i32
        %add3A_223 = arith.constant 1 : i32
        %add3A_224 = arith.addi %mul3A_222, %add3A_223 : i32
        %mul3A_225 = arith.constant 262144 : i32
        %mul3A_226 = arith.muli %add3A_224, %mul3A_225 : i32
        %add3A_227 = arith.addi %mul3A_226, %add3A_211 : i32
        %dma_start3A_228 = tpu.memref_slice %arg3[%add3A_227] : memref<12582912xf32, #tpu.memory_space<hbm>> -> memref<1024xf32, #tpu.memory_space<hbm>>
        %dma_start3A_229 = tpu.memref_slice %arg3[%add3A_227] : memref<12582912xf32, #tpu.memory_space<hbm>> -> memref<1024xf32, #tpu.memory_space<hbm>>
        tpu.enqueue_dma source(%dma_start3A_229 : memref<1024xf32, #tpu.memory_space<hbm>>) target(%arg12 : memref<1024xf32, #tpu.memory_space<vmem>>) target_semaphore(%arg21 : memref<!tpu.dma_semaphore, #tpu.memory_space<semaphore_mem>>)
        %mul3A_230 = arith.constant 3 : i32
        %mul3A_231 = arith.muli %select_n3A, %mul3A_230 : i32
        %add3A_232 = arith.constant 2 : i32
        %add3A_233 = arith.addi %mul3A_231, %add3A_232 : i32
        %mul3A_234 = arith.constant 262144 : i32
        %mul3A_235 = arith.muli %add3A_233, %mul3A_234 : i32
        %add3A_236 = arith.addi %mul3A_235, %add3A_211 : i32
        %dma_start3A_237 = tpu.memref_slice %arg3[%add3A_236] : memref<12582912xf32, #tpu.memory_space<hbm>> -> memref<1024xf32, #tpu.memory_space<hbm>>
        %dma_start3A_238 = tpu.memref_slice %arg3[%add3A_236] : memref<12582912xf32, #tpu.memory_space<hbm>> -> memref<1024xf32, #tpu.memory_space<hbm>>
        tpu.enqueue_dma source(%dma_start3A_238 : memref<1024xf32, #tpu.memory_space<hbm>>) target(%arg13 : memref<1024xf32, #tpu.memory_space<vmem>>) target_semaphore(%arg21 : memref<!tpu.dma_semaphore, #tpu.memory_space<semaphore_mem>>)
      } else {
      }
      %dma_wait3A_98 = arith.constant 0 : i32
      %dma_wait3A_99 = tpu.memref_slice %arg3[%dma_wait3A_98] : memref<12582912xf32, #tpu.memory_space<hbm>> -> memref<1024xf32, #tpu.memory_space<hbm>>
      %dma_wait3A_100 = arith.constant 0 : i32
      %dma_wait3A_101 = tpu.memref_slice %arg3[%dma_wait3A_100] : memref<12582912xf32, #tpu.memory_space<hbm>> -> memref<1024xf32, #tpu.memory_space<hbm>>
      tpu.wait_dma2 semaphore(%arg20 : memref<!tpu.dma_semaphore, #tpu.memory_space<semaphore_mem>>) src(%dma_wait3A_101 : memref<1024xf32, #tpu.memory_space<hbm>>) dst(%arg8 : memref<1024xf32, #tpu.memory_space<vmem>>)
      %dma_wait3A_102 = arith.constant 0 : i32
      %dma_wait3A_103 = tpu.memref_slice %arg3[%dma_wait3A_102] : memref<12582912xf32, #tpu.memory_space<hbm>> -> memref<1024xf32, #tpu.memory_space<hbm>>
      %dma_wait3A_104 = arith.constant 0 : i32
      %dma_wait3A_105 = tpu.memref_slice %arg3[%dma_wait3A_104] : memref<12582912xf32, #tpu.memory_space<hbm>> -> memref<1024xf32, #tpu.memory_space<hbm>>
      tpu.wait_dma2 semaphore(%arg20 : memref<!tpu.dma_semaphore, #tpu.memory_space<semaphore_mem>>) src(%dma_wait3A_105 : memref<1024xf32, #tpu.memory_space<hbm>>) dst(%arg9 : memref<1024xf32, #tpu.memory_space<vmem>>)
      %dma_wait3A_106 = arith.constant 0 : i32
      %dma_wait3A_107 = tpu.memref_slice %arg3[%dma_wait3A_106] : memref<12582912xf32, #tpu.memory_space<hbm>> -> memref<1024xf32, #tpu.memory_space<hbm>>
      %dma_wait3A_108 = arith.constant 0 : i32
      %dma_wait3A_109 = tpu.memref_slice %arg3[%dma_wait3A_108] : memref<12582912xf32, #tpu.memory_space<hbm>> -> memref<1024xf32, #tpu.memory_space<hbm>>
      tpu.wait_dma2 semaphore(%arg20 : memref<!tpu.dma_semaphore, #tpu.memory_space<semaphore_mem>>) src(%dma_wait3A_109 : memref<1024xf32, #tpu.memory_space<hbm>>) dst(%arg10 : memref<1024xf32, #tpu.memory_space<vmem>>)
      %ge3A = arith.constant 2 : i32
      %ge3A_110 = arith.cmpi sge, %add3A_92, %ge3A : i32
      %convert_element_type3A_111 = arith.extui %ge3A_110 : i1 to i32
      %cond3A_112 = arith.constant 0 : i32
      %cond3A_113 = arith.cmpi ne, %convert_element_type3A_111, %cond3A_112 : i32
      scf.if %cond3A_113 {
        %dma_wait3A_207 = arith.constant 0 : i32
        %dma_wait3A_208 = tpu.memref_slice %arg4[%dma_wait3A_207] : memref<12582912xf32, #tpu.memory_space<hbm>> -> memref<1024xf32, #tpu.memory_space<hbm>>
        %dma_wait3A_209 = arith.constant 0 : i32
        %dma_wait3A_210 = tpu.memref_slice %arg4[%dma_wait3A_209] : memref<12582912xf32, #tpu.memory_space<hbm>> -> memref<1024xf32, #tpu.memory_space<hbm>>
        tpu.wait_dma2 semaphore(%arg22 : memref<!tpu.dma_semaphore, #tpu.memory_space<semaphore_mem>>) src(%arg14 : memref<1024xf32, #tpu.memory_space<vmem>>) dst(%dma_wait3A_210 : memref<1024xf32, #tpu.memory_space<hbm>>)
        %dma_wait3A_211 = arith.constant 0 : i32
        %dma_wait3A_212 = tpu.memref_slice %arg4[%dma_wait3A_211] : memref<12582912xf32, #tpu.memory_space<hbm>> -> memref<1024xf32, #tpu.memory_space<hbm>>
        %dma_wait3A_213 = arith.constant 0 : i32
        %dma_wait3A_214 = tpu.memref_slice %arg4[%dma_wait3A_213] : memref<12582912xf32, #tpu.memory_space<hbm>> -> memref<1024xf32, #tpu.memory_space<hbm>>
        tpu.wait_dma2 semaphore(%arg22 : memref<!tpu.dma_semaphore, #tpu.memory_space<semaphore_mem>>) src(%arg15 : memref<1024xf32, #tpu.memory_space<vmem>>) dst(%dma_wait3A_214 : memref<1024xf32, #tpu.memory_space<hbm>>)
        %dma_wait3A_215 = arith.constant 0 : i32
        %dma_wait3A_216 = tpu.memref_slice %arg4[%dma_wait3A_215] : memref<12582912xf32, #tpu.memory_space<hbm>> -> memref<1024xf32, #tpu.memory_space<hbm>>
        %dma_wait3A_217 = arith.constant 0 : i32
        %dma_wait3A_218 = tpu.memref_slice %arg4[%dma_wait3A_217] : memref<12582912xf32, #tpu.memory_space<hbm>> -> memref<1024xf32, #tpu.memory_space<hbm>>
        tpu.wait_dma2 semaphore(%arg22 : memref<!tpu.dma_semaphore, #tpu.memory_space<semaphore_mem>>) src(%arg16 : memref<1024xf32, #tpu.memory_space<vmem>>) dst(%dma_wait3A_218 : memref<1024xf32, #tpu.memory_space<hbm>>)
      } else {
      }
      %parallel_loop3A = arith.constant 0 : i32
      %parallel_loop3A_114 = arith.constant 1024 : i32
      %parallel_loop3A_115 = arith.constant 16 : i32
      scf.for %parallel_loop3A_207 = %parallel_loop3A to %parallel_loop3A_114 step %parallel_loop3A_115  : i32 {
        %parallel_loop3A_208 = arith.index_cast %parallel_loop3A_207 : i32 to index
        %parallel_loop3A_209 = tpu.vector_load %arg8[%parallel_loop3A_208] {strides = array<i32>} : memref<1024xf32, #tpu.memory_space<vmem>>, vector<16xf32>,
        %parallel_loop3A_210 = arith.index_cast %parallel_loop3A_207 : i32 to index
        %parallel_loop3A_211 = tpu.vector_load %arg9[%parallel_loop3A_210] {strides = array<i32>} : memref<1024xf32, #tpu.memory_space<vmem>>, vector<16xf32>,
        %parallel_loop3A_212 = arith.index_cast %parallel_loop3A_207 : i32 to index
        %parallel_loop3A_213 = tpu.vector_load %arg10[%parallel_loop3A_212] {strides = array<i32>} : memref<1024xf32, #tpu.memory_space<vmem>>, vector<16xf32>,
        %parallel_loop3A_214 = arith.constant 31.9999676 : f32
        %parallel_loop3A_215 = vector.broadcast %parallel_loop3A_214 : f32 to vector<16xf32>
        %parallel_loop3A_216 = arith.mulf %parallel_loop3A_209, %parallel_loop3A_215 : vector<16xf32>
        %parallel_loop3A_217 = arith.constant 31.9999676 : f32
        %parallel_loop3A_218 = vector.broadcast %parallel_loop3A_217 : f32 to vector<16xf32>
        %parallel_loop3A_219 = arith.mulf %parallel_loop3A_211, %parallel_loop3A_218 : vector<16xf32>
        %parallel_loop3A_220 = arith.constant 31.9999676 : f32
        %parallel_loop3A_221 = vector.broadcast %parallel_loop3A_220 : f32 to vector<16xf32>
        %parallel_loop3A_222 = arith.mulf %parallel_loop3A_213, %parallel_loop3A_221 : vector<16xf32>
        %parallel_loop3A_223 = arith.fptosi %parallel_loop3A_216 : vector<16xf32> to vector<16xi32>
        %parallel_loop3A_224 = arith.fptosi %parallel_loop3A_219 : vector<16xf32> to vector<16xi32>
        %parallel_loop3A_225 = arith.fptosi %parallel_loop3A_222 : vector<16xf32> to vector<16xi32>
        %parallel_loop3A_226 = arith.sitofp %parallel_loop3A_223 : vector<16xi32> to vector<16xf32>
        %parallel_loop3A_227 = arith.subf %parallel_loop3A_216, %parallel_loop3A_226 : vector<16xf32>
        %parallel_loop3A_228 = arith.sitofp %parallel_loop3A_224 : vector<16xi32> to vector<16xf32>
        %parallel_loop3A_229 = arith.subf %parallel_loop3A_219, %parallel_loop3A_228 : vector<16xf32>
        %parallel_loop3A_230 = arith.sitofp %parallel_loop3A_225 : vector<16xi32> to vector<16xf32>
        %parallel_loop3A_231 = arith.subf %parallel_loop3A_222, %parallel_loop3A_230 : vector<16xf32>
        %parallel_loop3A_232 = arith.constant 33 : i32
        %parallel_loop3A_233 = vector.broadcast %parallel_loop3A_232 : i32 to vector<16xi32>
        %parallel_loop3A_234 = arith.muli %parallel_loop3A_224, %parallel_loop3A_233 : vector<16xi32>
        %parallel_loop3A_235 = arith.addi %parallel_loop3A_223, %parallel_loop3A_234 : vector<16xi32>
        %parallel_loop3A_236 = arith.constant 1089 : i32
        %parallel_loop3A_237 = vector.broadcast %parallel_loop3A_236 : i32 to vector<16xi32>
        %parallel_loop3A_238 = arith.muli %parallel_loop3A_225, %parallel_loop3A_237 : vector<16xi32>
        %parallel_loop3A_239 = arith.addi %parallel_loop3A_235, %parallel_loop3A_238 : vector<16xi32>
        %parallel_loop3A_240 = arith.constant 1.000000e+00 : f32
        %parallel_loop3A_241 = vector.broadcast %parallel_loop3A_240 : f32 to vector<16xf32>
        %parallel_loop3A_242 = arith.subf %parallel_loop3A_241, %parallel_loop3A_229 : vector<16xf32>
        %parallel_loop3A_243 = arith.constant 1.000000e+00 : f32
        %parallel_loop3A_244 = vector.broadcast %parallel_loop3A_243 : f32 to vector<16xf32>
        %parallel_loop3A_245 = arith.subf %parallel_loop3A_244, %parallel_loop3A_231 : vector<16xf32>
        %parallel_loop3A_246 = arith.mulf %parallel_loop3A_242, %parallel_loop3A_245 : vector<16xf32>
        %parallel_loop3A_247 = arith.mulf %parallel_loop3A_229, %parallel_loop3A_245 : vector<16xf32>
        %parallel_loop3A_248 = arith.mulf %parallel_loop3A_242, %parallel_loop3A_231 : vector<16xf32>
        %parallel_loop3A_249 = arith.mulf %parallel_loop3A_229, %parallel_loop3A_231 : vector<16xf32>
        %parallel_loop3A_250 = arith.constant 1 : i32
        %parallel_loop3A_251 = vector.broadcast %parallel_loop3A_250 : i32 to vector<16xi32>
        %parallel_loop3A_252 = arith.addi %parallel_loop3A_239, %parallel_loop3A_251 : vector<16xi32>
        %parallel_loop3A_253 = tpu.vector_load_idx %arg5[%parallel_loop3A_239] : memref<35944xf32, #tpu.memory_space<vmem>>[vector<16xi32>], vector<16xf32>,
        %parallel_loop3A_254 = tpu.vector_load_idx %arg5[%parallel_loop3A_252] : memref<35944xf32, #tpu.memory_space<vmem>>[vector<16xi32>], vector<16xf32>,
        %parallel_loop3A_255 = arith.subf %parallel_loop3A_254, %parallel_loop3A_253 : vector<16xf32>
        %parallel_loop3A_256 = arith.mulf %parallel_loop3A_227, %parallel_loop3A_255 : vector<16xf32>
        %parallel_loop3A_257 = arith.addf %parallel_loop3A_253, %parallel_loop3A_256 : vector<16xf32>
        %parallel_loop3A_258 = arith.mulf %parallel_loop3A_246, %parallel_loop3A_257 : vector<16xf32>
        %parallel_loop3A_259 = tpu.vector_load_idx %arg6[%parallel_loop3A_239] : memref<35944xf32, #tpu.memory_space<vmem>>[vector<16xi32>], vector<16xf32>,
        %parallel_loop3A_260 = tpu.vector_load_idx %arg6[%parallel_loop3A_252] : memref<35944xf32, #tpu.memory_space<vmem>>[vector<16xi32>], vector<16xf32>,
        %parallel_loop3A_261 = arith.subf %parallel_loop3A_260, %parallel_loop3A_259 : vector<16xf32>
        %parallel_loop3A_262 = arith.mulf %parallel_loop3A_227, %parallel_loop3A_261 : vector<16xf32>
        %parallel_loop3A_263 = arith.addf %parallel_loop3A_259, %parallel_loop3A_262 : vector<16xf32>
        %parallel_loop3A_264 = arith.mulf %parallel_loop3A_246, %parallel_loop3A_263 : vector<16xf32>
        %parallel_loop3A_265 = tpu.vector_load_idx %arg7[%parallel_loop3A_239] : memref<35944xf32, #tpu.memory_space<vmem>>[vector<16xi32>], vector<16xf32>,
        %parallel_loop3A_266 = tpu.vector_load_idx %arg7[%parallel_loop3A_252] : memref<35944xf32, #tpu.memory_space<vmem>>[vector<16xi32>], vector<16xf32>,
        %parallel_loop3A_267 = arith.subf %parallel_loop3A_266, %parallel_loop3A_265 : vector<16xf32>
        %parallel_loop3A_268 = arith.mulf %parallel_loop3A_227, %parallel_loop3A_267 : vector<16xf32>
        %parallel_loop3A_269 = arith.addf %parallel_loop3A_265, %parallel_loop3A_268 : vector<16xf32>
        %parallel_loop3A_270 = arith.mulf %parallel_loop3A_246, %parallel_loop3A_269 : vector<16xf32>
        %parallel_loop3A_271 = arith.constant 33 : i32
        %parallel_loop3A_272 = vector.broadcast %parallel_loop3A_271 : i32 to vector<16xi32>
        %parallel_loop3A_273 = arith.addi %parallel_loop3A_239, %parallel_loop3A_272 : vector<16xi32>
        %parallel_loop3A_274 = arith.constant 1 : i32
        %parallel_loop3A_275 = vector.broadcast %parallel_loop3A_274 : i32 to vector<16xi32>
        %parallel_loop3A_276 = arith.addi %parallel_loop3A_273, %parallel_loop3A_275 : vector<16xi32>
        %parallel_loop3A_277 = tpu.vector_load_idx %arg5[%parallel_loop3A_273] : memref<35944xf32, #tpu.memory_space<vmem>>[vector<16xi32>], vector<16xf32>,
        %parallel_loop3A_278 = tpu.vector_load_idx %arg5[%parallel_loop3A_276] : memref<35944xf32, #tpu.memory_space<vmem>>[vector<16xi32>], vector<16xf32>,
        %parallel_loop3A_279 = arith.subf %parallel_loop3A_278, %parallel_loop3A_277 : vector<16xf32>
        %parallel_loop3A_280 = arith.mulf %parallel_loop3A_227, %parallel_loop3A_279 : vector<16xf32>
        %parallel_loop3A_281 = arith.addf %parallel_loop3A_277, %parallel_loop3A_280 : vector<16xf32>
        %parallel_loop3A_282 = arith.mulf %parallel_loop3A_247, %parallel_loop3A_281 : vector<16xf32>
        %parallel_loop3A_283 = arith.addf %parallel_loop3A_258, %parallel_loop3A_282 : vector<16xf32>
        %parallel_loop3A_284 = tpu.vector_load_idx %arg6[%parallel_loop3A_273] : memref<35944xf32, #tpu.memory_space<vmem>>[vector<16xi32>], vector<16xf32>,
        %parallel_loop3A_285 = tpu.vector_load_idx %arg6[%parallel_loop3A_276] : memref<35944xf32, #tpu.memory_space<vmem>>[vector<16xi32>], vector<16xf32>,
        %parallel_loop3A_286 = arith.subf %parallel_loop3A_285, %parallel_loop3A_284 : vector<16xf32>
        %parallel_loop3A_287 = arith.mulf %parallel_loop3A_227, %parallel_loop3A_286 : vector<16xf32>
        %parallel_loop3A_288 = arith.addf %parallel_loop3A_284, %parallel_loop3A_287 : vector<16xf32>
        %parallel_loop3A_289 = arith.mulf %parallel_loop3A_247, %parallel_loop3A_288 : vector<16xf32>
        %parallel_loop3A_290 = arith.addf %parallel_loop3A_264, %parallel_loop3A_289 : vector<16xf32>
        %parallel_loop3A_291 = tpu.vector_load_idx %arg7[%parallel_loop3A_273] : memref<35944xf32, #tpu.memory_space<vmem>>[vector<16xi32>], vector<16xf32>,
        %parallel_loop3A_292 = tpu.vector_load_idx %arg7[%parallel_loop3A_276] : memref<35944xf32, #tpu.memory_space<vmem>>[vector<16xi32>], vector<16xf32>,
        %parallel_loop3A_293 = arith.subf %parallel_loop3A_292, %parallel_loop3A_291 : vector<16xf32>
        %parallel_loop3A_294 = arith.mulf %parallel_loop3A_227, %parallel_loop3A_293 : vector<16xf32>
        %parallel_loop3A_295 = arith.addf %parallel_loop3A_291, %parallel_loop3A_294 : vector<16xf32>
        %parallel_loop3A_296 = arith.mulf %parallel_loop3A_247, %parallel_loop3A_295 : vector<16xf32>
        %parallel_loop3A_297 = arith.addf %parallel_loop3A_270, %parallel_loop3A_296 : vector<16xf32>
        %parallel_loop3A_298 = arith.constant 1089 : i32
        %parallel_loop3A_299 = vector.broadcast %parallel_loop3A_298 : i32 to vector<16xi32>
        %parallel_loop3A_300 = arith.addi %parallel_loop3A_239, %parallel_loop3A_299 : vector<16xi32>
        %parallel_loop3A_301 = arith.constant 1 : i32
        %parallel_loop3A_302 = vector.broadcast %parallel_loop3A_301 : i32 to vector<16xi32>
        %parallel_loop3A_303 = arith.addi %parallel_loop3A_300, %parallel_loop3A_302 : vector<16xi32>
        %parallel_loop3A_304 = tpu.vector_load_idx %arg5[%parallel_loop3A_300] : memref<35944xf32, #tpu.memory_space<vmem>>[vector<16xi32>], vector<16xf32>,
        %parallel_loop3A_305 = tpu.vector_load_idx %arg5[%parallel_loop3A_303] : memref<35944xf32, #tpu.memory_space<vmem>>[vector<16xi32>], vector<16xf32>,
        %parallel_loop3A_306 = arith.subf %parallel_loop3A_305, %parallel_loop3A_304 : vector<16xf32>
        %parallel_loop3A_307 = arith.mulf %parallel_loop3A_227, %parallel_loop3A_306 : vector<16xf32>
        %parallel_loop3A_308 = arith.addf %parallel_loop3A_304, %parallel_loop3A_307 : vector<16xf32>
        %parallel_loop3A_309 = arith.mulf %parallel_loop3A_248, %parallel_loop3A_308 : vector<16xf32>
        %parallel_loop3A_310 = arith.addf %parallel_loop3A_283, %parallel_loop3A_309 : vector<16xf32>
        %parallel_loop3A_311 = tpu.vector_load_idx %arg6[%parallel_loop3A_300] : memref<35944xf32, #tpu.memory_space<vmem>>[vector<16xi32>], vector<16xf32>,
        %parallel_loop3A_312 = tpu.vector_load_idx %arg6[%parallel_loop3A_303] : memref<35944xf32, #tpu.memory_space<vmem>>[vector<16xi32>], vector<16xf32>,
        %parallel_loop3A_313 = arith.subf %parallel_loop3A_312, %parallel_loop3A_311 : vector<16xf32>
        %parallel_loop3A_314 = arith.mulf %parallel_loop3A_227, %parallel_loop3A_313 : vector<16xf32>
        %parallel_loop3A_315 = arith.addf %parallel_loop3A_311, %parallel_loop3A_314 : vector<16xf32>
        %parallel_loop3A_316 = arith.mulf %parallel_loop3A_248, %parallel_loop3A_315 : vector<16xf32>
        %parallel_loop3A_317 = arith.addf %parallel_loop3A_290, %parallel_loop3A_316 : vector<16xf32>
        %parallel_loop3A_318 = tpu.vector_load_idx %arg7[%parallel_loop3A_300] : memref<35944xf32, #tpu.memory_space<vmem>>[vector<16xi32>], vector<16xf32>,
        %parallel_loop3A_319 = tpu.vector_load_idx %arg7[%parallel_loop3A_303] : memref<35944xf32, #tpu.memory_space<vmem>>[vector<16xi32>], vector<16xf32>,
        %parallel_loop3A_320 = arith.subf %parallel_loop3A_319, %parallel_loop3A_318 : vector<16xf32>
        %parallel_loop3A_321 = arith.mulf %parallel_loop3A_227, %parallel_loop3A_320 : vector<16xf32>
        %parallel_loop3A_322 = arith.addf %parallel_loop3A_318, %parallel_loop3A_321 : vector<16xf32>
        %parallel_loop3A_323 = arith.mulf %parallel_loop3A_248, %parallel_loop3A_322 : vector<16xf32>
        %parallel_loop3A_324 = arith.addf %parallel_loop3A_297, %parallel_loop3A_323 : vector<16xf32>
        %parallel_loop3A_325 = arith.constant 1122 : i32
        %parallel_loop3A_326 = vector.broadcast %parallel_loop3A_325 : i32 to vector<16xi32>
        %parallel_loop3A_327 = arith.addi %parallel_loop3A_239, %parallel_loop3A_326 : vector<16xi32>
        %parallel_loop3A_328 = arith.constant 1 : i32
        %parallel_loop3A_329 = vector.broadcast %parallel_loop3A_328 : i32 to vector<16xi32>
        %parallel_loop3A_330 = arith.addi %parallel_loop3A_327, %parallel_loop3A_329 : vector<16xi32>
        %parallel_loop3A_331 = tpu.vector_load_idx %arg5[%parallel_loop3A_327] : memref<35944xf32, #tpu.memory_space<vmem>>[vector<16xi32>], vector<16xf32>,
        %parallel_loop3A_332 = tpu.vector_load_idx %arg5[%parallel_loop3A_330] : memref<35944xf32, #tpu.memory_space<vmem>>[vector<16xi32>], vector<16xf32>,
        %parallel_loop3A_333 = arith.subf %parallel_loop3A_332, %parallel_loop3A_331 : vector<16xf32>
        %parallel_loop3A_334 = arith.mulf %parallel_loop3A_227, %parallel_loop3A_333 : vector<16xf32>
        %parallel_loop3A_335 = arith.addf %parallel_loop3A_331, %parallel_loop3A_334 : vector<16xf32>
        %parallel_loop3A_336 = arith.mulf %parallel_loop3A_249, %parallel_loop3A_335 : vector<16xf32>
        %parallel_loop3A_337 = arith.addf %parallel_loop3A_310, %parallel_loop3A_336 : vector<16xf32>
        %parallel_loop3A_338 = tpu.vector_load_idx %arg6[%parallel_loop3A_327] : memref<35944xf32, #tpu.memory_space<vmem>>[vector<16xi32>], vector<16xf32>,
        %parallel_loop3A_339 = tpu.vector_load_idx %arg6[%parallel_loop3A_330] : memref<35944xf32, #tpu.memory_space<vmem>>[vector<16xi32>], vector<16xf32>,
        %parallel_loop3A_340 = arith.subf %parallel_loop3A_339, %parallel_loop3A_338 : vector<16xf32>
        %parallel_loop3A_341 = arith.mulf %parallel_loop3A_227, %parallel_loop3A_340 : vector<16xf32>
        %parallel_loop3A_342 = arith.addf %parallel_loop3A_338, %parallel_loop3A_341 : vector<16xf32>
        %parallel_loop3A_343 = arith.mulf %parallel_loop3A_249, %parallel_loop3A_342 : vector<16xf32>
        %parallel_loop3A_344 = arith.addf %parallel_loop3A_317, %parallel_loop3A_343 : vector<16xf32>
        %parallel_loop3A_345 = tpu.vector_load_idx %arg7[%parallel_loop3A_327] : memref<35944xf32, #tpu.memory_space<vmem>>[vector<16xi32>], vector<16xf32>,
        %parallel_loop3A_346 = tpu.vector_load_idx %arg7[%parallel_loop3A_330] : memref<35944xf32, #tpu.memory_space<vmem>>[vector<16xi32>], vector<16xf32>,
        %parallel_loop3A_347 = arith.subf %parallel_loop3A_346, %parallel_loop3A_345 : vector<16xf32>
        %parallel_loop3A_348 = arith.mulf %parallel_loop3A_227, %parallel_loop3A_347 : vector<16xf32>
        %parallel_loop3A_349 = arith.addf %parallel_loop3A_345, %parallel_loop3A_348 : vector<16xf32>
        %parallel_loop3A_350 = arith.mulf %parallel_loop3A_249, %parallel_loop3A_349 : vector<16xf32>
        %parallel_loop3A_351 = arith.addf %parallel_loop3A_324, %parallel_loop3A_350 : vector<16xf32>
        %parallel_loop3A_352 = arith.index_cast %parallel_loop3A_207 : i32 to index
        %parallel_loop3A_353 = tpu.vector_load %arg14[%parallel_loop3A_352] {strides = array<i32>} : memref<1024xf32, #tpu.memory_space<vmem>>, vector<16xf32>,
        tpu.vector_store %arg14[%parallel_loop3A_352], %parallel_loop3A_337 {strides = array<i32>} : memref<1024xf32, #tpu.memory_space<vmem>>, vector<16xf32>,
        %parallel_loop3A_354 = arith.index_cast %parallel_loop3A_207 : i32 to index
        %parallel_loop3A_355 = tpu.vector_load %arg15[%parallel_loop3A_354] {strides = array<i32>} : memref<1024xf32, #tpu.memory_space<vmem>>, vector<16xf32>,
        tpu.vector_store %arg15[%parallel_loop3A_354], %parallel_loop3A_344 {strides = array<i32>} : memref<1024xf32, #tpu.memory_space<vmem>>, vector<16xf32>,
        %parallel_loop3A_356 = arith.index_cast %parallel_loop3A_207 : i32 to index
        %parallel_loop3A_357 = tpu.vector_load %arg16[%parallel_loop3A_356] {strides = array<i32>} : memref<1024xf32, #tpu.memory_space<vmem>>, vector<16xf32>,
        tpu.vector_store %arg16[%parallel_loop3A_356], %parallel_loop3A_351 {strides = array<i32>} : memref<1024xf32, #tpu.memory_space<vmem>>, vector<16xf32>,
      } {sc.loop_unroll_factor = 2 : i64, sc.parallel_access}
      %mul3A_116 = arith.constant 1024 : i32
      %mul3A_117 = arith.muli %add3A_92, %mul3A_116 : i32
      %add3A_118 = arith.addi %mul3A_32, %mul3A_117 : i32
      %mul3A_119 = arith.constant 3 : i32
      %mul3A_120 = arith.muli %select_n3A, %mul3A_119 : i32
      %add3A_121 = arith.constant 0 : i32
      %add3A_122 = arith.addi %mul3A_120, %add3A_121 : i32
      %mul3A_123 = arith.constant 262144 : i32
      %mul3A_124 = arith.muli %add3A_122, %mul3A_123 : i32
      %add3A_125 = arith.addi %mul3A_124, %add3A_118 : i32
      %dma_start3A_126 = tpu.memref_slice %arg4[%add3A_125] : memref<12582912xf32, #tpu.memory_space<hbm>> -> memref<1024xf32, #tpu.memory_space<hbm>>
      %dma_start3A_127 = tpu.memref_slice %arg4[%add3A_125] : memref<12582912xf32, #tpu.memory_space<hbm>> -> memref<1024xf32, #tpu.memory_space<hbm>>
      tpu.enqueue_dma source(%arg14 : memref<1024xf32, #tpu.memory_space<vmem>>) target(%dma_start3A_127 : memref<1024xf32, #tpu.memory_space<hbm>>) target_semaphore(%arg22 : memref<!tpu.dma_semaphore, #tpu.memory_space<semaphore_mem>>)
      %mul3A_128 = arith.constant 3 : i32
      %mul3A_129 = arith.muli %select_n3A, %mul3A_128 : i32
      %add3A_130 = arith.constant 1 : i32
      %add3A_131 = arith.addi %mul3A_129, %add3A_130 : i32
      %mul3A_132 = arith.constant 262144 : i32
      %mul3A_133 = arith.muli %add3A_131, %mul3A_132 : i32
      %add3A_134 = arith.addi %mul3A_133, %add3A_118 : i32
      %dma_start3A_135 = tpu.memref_slice %arg4[%add3A_134] : memref<12582912xf32, #tpu.memory_space<hbm>> -> memref<1024xf32, #tpu.memory_space<hbm>>
      %dma_start3A_136 = tpu.memref_slice %arg4[%add3A_134] : memref<12582912xf32, #tpu.memory_space<hbm>> -> memref<1024xf32, #tpu.memory_space<hbm>>
      tpu.enqueue_dma source(%arg15 : memref<1024xf32, #tpu.memory_space<vmem>>) target(%dma_start3A_136 : memref<1024xf32, #tpu.memory_space<hbm>>) target_semaphore(%arg22 : memref<!tpu.dma_semaphore, #tpu.memory_space<semaphore_mem>>)
      %mul3A_137 = arith.constant 3 : i32
      %mul3A_138 = arith.muli %select_n3A, %mul3A_137 : i32
      %add3A_139 = arith.constant 2 : i32
      %add3A_140 = arith.addi %mul3A_138, %add3A_139 : i32
      %mul3A_141 = arith.constant 262144 : i32
      %mul3A_142 = arith.muli %add3A_140, %mul3A_141 : i32
      %add3A_143 = arith.addi %mul3A_142, %add3A_118 : i32
      %dma_start3A_144 = tpu.memref_slice %arg4[%add3A_143] : memref<12582912xf32, #tpu.memory_space<hbm>> -> memref<1024xf32, #tpu.memory_space<hbm>>
      %dma_start3A_145 = tpu.memref_slice %arg4[%add3A_143] : memref<12582912xf32, #tpu.memory_space<hbm>> -> memref<1024xf32, #tpu.memory_space<hbm>>
      tpu.enqueue_dma source(%arg16 : memref<1024xf32, #tpu.memory_space<vmem>>) target(%dma_start3A_145 : memref<1024xf32, #tpu.memory_space<hbm>>) target_semaphore(%arg22 : memref<!tpu.dma_semaphore, #tpu.memory_space<semaphore_mem>>)
      %mul3A_146 = arith.constant 2 : i32
      %mul3A_147 = arith.muli %mul3A_146, %scan3A_88 : i32
      %add3A_148 = arith.constant 1 : i32
      %add3A_149 = arith.addi %mul3A_147, %add3A_148 : i32
      %add3A_150 = arith.constant 1 : i32
      %add3A_151 = arith.addi %add3A_149, %add3A_150 : i32
      %lt3A_152 = arith.constant 128 : i32
      %lt3A_153 = arith.cmpi slt, %add3A_151, %lt3A_152 : i32
      %convert_element_type3A_154 = arith.extui %lt3A_153 : i1 to i32
      %cond3A_155 = arith.constant 0 : i32
      %cond3A_156 = arith.cmpi ne, %convert_element_type3A_154, %cond3A_155 : i32
      scf.if %cond3A_156 {
        %add3A_207 = arith.constant 1 : i32
        %add3A_208 = arith.addi %add3A_149, %add3A_207 : i32
        %mul3A_209 = arith.constant 1024 : i32
        %mul3A_210 = arith.muli %add3A_208, %mul3A_209 : i32
        %add3A_211 = arith.addi %mul3A_32, %mul3A_210 : i32
        %mul3A_212 = arith.constant 3 : i32
        %mul3A_213 = arith.muli %select_n3A, %mul3A_212 : i32
        %add3A_214 = arith.constant 0 : i32
        %add3A_215 = arith.addi %mul3A_213, %add3A_214 : i32
        %mul3A_216 = arith.constant 262144 : i32
        %mul3A_217 = arith.muli %add3A_215, %mul3A_216 : i32
        %add3A_218 = arith.addi %mul3A_217, %add3A_211 : i32
        %dma_start3A_219 = tpu.memref_slice %arg3[%add3A_218] : memref<12582912xf32, #tpu.memory_space<hbm>> -> memref<1024xf32, #tpu.memory_space<hbm>>
        %dma_start3A_220 = tpu.memref_slice %arg3[%add3A_218] : memref<12582912xf32, #tpu.memory_space<hbm>> -> memref<1024xf32, #tpu.memory_space<hbm>>
        tpu.enqueue_dma source(%dma_start3A_220 : memref<1024xf32, #tpu.memory_space<hbm>>) target(%arg8 : memref<1024xf32, #tpu.memory_space<vmem>>) target_semaphore(%arg20 : memref<!tpu.dma_semaphore, #tpu.memory_space<semaphore_mem>>)
        %mul3A_221 = arith.constant 3 : i32
        %mul3A_222 = arith.muli %select_n3A, %mul3A_221 : i32
        %add3A_223 = arith.constant 1 : i32
        %add3A_224 = arith.addi %mul3A_222, %add3A_223 : i32
        %mul3A_225 = arith.constant 262144 : i32
        %mul3A_226 = arith.muli %add3A_224, %mul3A_225 : i32
        %add3A_227 = arith.addi %mul3A_226, %add3A_211 : i32
        %dma_start3A_228 = tpu.memref_slice %arg3[%add3A_227] : memref<12582912xf32, #tpu.memory_space<hbm>> -> memref<1024xf32, #tpu.memory_space<hbm>>
        %dma_start3A_229 = tpu.memref_slice %arg3[%add3A_227] : memref<12582912xf32, #tpu.memory_space<hbm>> -> memref<1024xf32, #tpu.memory_space<hbm>>
        tpu.enqueue_dma source(%dma_start3A_229 : memref<1024xf32, #tpu.memory_space<hbm>>) target(%arg9 : memref<1024xf32, #tpu.memory_space<vmem>>) target_semaphore(%arg20 : memref<!tpu.dma_semaphore, #tpu.memory_space<semaphore_mem>>)
        %mul3A_230 = arith.constant 3 : i32
        %mul3A_231 = arith.muli %select_n3A, %mul3A_230 : i32
        %add3A_232 = arith.constant 2 : i32
        %add3A_233 = arith.addi %mul3A_231, %add3A_232 : i32
        %mul3A_234 = arith.constant 262144 : i32
        %mul3A_235 = arith.muli %add3A_233, %mul3A_234 : i32
        %add3A_236 = arith.addi %mul3A_235, %add3A_211 : i32
        %dma_start3A_237 = tpu.memref_slice %arg3[%add3A_236] : memref<12582912xf32, #tpu.memory_space<hbm>> -> memref<1024xf32, #tpu.memory_space<hbm>>
        %dma_start3A_238 = tpu.memref_slice %arg3[%add3A_236] : memref<12582912xf32, #tpu.memory_space<hbm>> -> memref<1024xf32, #tpu.memory_space<hbm>>
        tpu.enqueue_dma source(%dma_start3A_238 : memref<1024xf32, #tpu.memory_space<hbm>>) target(%arg10 : memref<1024xf32, #tpu.memory_space<vmem>>) target_semaphore(%arg20 : memref<!tpu.dma_semaphore, #tpu.memory_space<semaphore_mem>>)
      } else {
      }
      %dma_wait3A_157 = arith.constant 0 : i32
      %dma_wait3A_158 = tpu.memref_slice %arg3[%dma_wait3A_157] : memref<12582912xf32, #tpu.memory_space<hbm>> -> memref<1024xf32, #tpu.memory_space<hbm>>
      %dma_wait3A_159 = arith.constant 0 : i32
      %dma_wait3A_160 = tpu.memref_slice %arg3[%dma_wait3A_159] : memref<12582912xf32, #tpu.memory_space<hbm>> -> memref<1024xf32, #tpu.memory_space<hbm>>
      tpu.wait_dma2 semaphore(%arg21 : memref<!tpu.dma_semaphore, #tpu.memory_space<semaphore_mem>>) src(%dma_wait3A_160 : memref<1024xf32, #tpu.memory_space<hbm>>) dst(%arg11 : memref<1024xf32, #tpu.memory_space<vmem>>)
      %dma_wait3A_161 = arith.constant 0 : i32
      %dma_wait3A_162 = tpu.memref_slice %arg3[%dma_wait3A_161] : memref<12582912xf32, #tpu.memory_space<hbm>> -> memref<1024xf32, #tpu.memory_space<hbm>>
      %dma_wait3A_163 = arith.constant 0 : i32
      %dma_wait3A_164 = tpu.memref_slice %arg3[%dma_wait3A_163] : memref<12582912xf32, #tpu.memory_space<hbm>> -> memref<1024xf32, #tpu.memory_space<hbm>>
      tpu.wait_dma2 semaphore(%arg21 : memref<!tpu.dma_semaphore, #tpu.memory_space<semaphore_mem>>) src(%dma_wait3A_164 : memref<1024xf32, #tpu.memory_space<hbm>>) dst(%arg12 : memref<1024xf32, #tpu.memory_space<vmem>>)
      %dma_wait3A_165 = arith.constant 0 : i32
      %dma_wait3A_166 = tpu.memref_slice %arg3[%dma_wait3A_165] : memref<12582912xf32, #tpu.memory_space<hbm>> -> memref<1024xf32, #tpu.memory_space<hbm>>
      %dma_wait3A_167 = arith.constant 0 : i32
      %dma_wait3A_168 = tpu.memref_slice %arg3[%dma_wait3A_167] : memref<12582912xf32, #tpu.memory_space<hbm>> -> memref<1024xf32, #tpu.memory_space<hbm>>
      tpu.wait_dma2 semaphore(%arg21 : memref<!tpu.dma_semaphore, #tpu.memory_space<semaphore_mem>>) src(%dma_wait3A_168 : memref<1024xf32, #tpu.memory_space<hbm>>) dst(%arg13 : memref<1024xf32, #tpu.memory_space<vmem>>)
      %ge3A_169 = arith.constant 2 : i32
      %ge3A_170 = arith.cmpi sge, %add3A_149, %ge3A_169 : i32
      %convert_element_type3A_171 = arith.extui %ge3A_170 : i1 to i32
      %cond3A_172 = arith.constant 0 : i32
      %cond3A_173 = arith.cmpi ne, %convert_element_type3A_171, %cond3A_172 : i32
      scf.if %cond3A_173 {
        %dma_wait3A_207 = arith.constant 0 : i32
        %dma_wait3A_208 = tpu.memref_slice %arg4[%dma_wait3A_207] : memref<12582912xf32, #tpu.memory_space<hbm>> -> memref<1024xf32, #tpu.memory_space<hbm>>
        %dma_wait3A_209 = arith.constant 0 : i32
        %dma_wait3A_210 = tpu.memref_slice %arg4[%dma_wait3A_209] : memref<12582912xf32, #tpu.memory_space<hbm>> -> memref<1024xf32, #tpu.memory_space<hbm>>
        tpu.wait_dma2 semaphore(%arg23 : memref<!tpu.dma_semaphore, #tpu.memory_space<semaphore_mem>>) src(%arg17 : memref<1024xf32, #tpu.memory_space<vmem>>) dst(%dma_wait3A_210 : memref<1024xf32, #tpu.memory_space<hbm>>)
        %dma_wait3A_211 = arith.constant 0 : i32
        %dma_wait3A_212 = tpu.memref_slice %arg4[%dma_wait3A_211] : memref<12582912xf32, #tpu.memory_space<hbm>> -> memref<1024xf32, #tpu.memory_space<hbm>>
        %dma_wait3A_213 = arith.constant 0 : i32
        %dma_wait3A_214 = tpu.memref_slice %arg4[%dma_wait3A_213] : memref<12582912xf32, #tpu.memory_space<hbm>> -> memref<1024xf32, #tpu.memory_space<hbm>>
        tpu.wait_dma2 semaphore(%arg23 : memref<!tpu.dma_semaphore, #tpu.memory_space<semaphore_mem>>) src(%arg18 : memref<1024xf32, #tpu.memory_space<vmem>>) dst(%dma_wait3A_214 : memref<1024xf32, #tpu.memory_space<hbm>>)
        %dma_wait3A_215 = arith.constant 0 : i32
        %dma_wait3A_216 = tpu.memref_slice %arg4[%dma_wait3A_215] : memref<12582912xf32, #tpu.memory_space<hbm>> -> memref<1024xf32, #tpu.memory_space<hbm>>
        %dma_wait3A_217 = arith.constant 0 : i32
        %dma_wait3A_218 = tpu.memref_slice %arg4[%dma_wait3A_217] : memref<12582912xf32, #tpu.memory_space<hbm>> -> memref<1024xf32, #tpu.memory_space<hbm>>
        tpu.wait_dma2 semaphore(%arg23 : memref<!tpu.dma_semaphore, #tpu.memory_space<semaphore_mem>>) src(%arg19 : memref<1024xf32, #tpu.memory_space<vmem>>) dst(%dma_wait3A_218 : memref<1024xf32, #tpu.memory_space<hbm>>)
      } else {
      }
      %parallel_loop3A_174 = arith.constant 0 : i32
      %parallel_loop3A_175 = arith.constant 1024 : i32
      %parallel_loop3A_176 = arith.constant 16 : i32
      scf.for %parallel_loop3A_207 = %parallel_loop3A_174 to %parallel_loop3A_175 step %parallel_loop3A_176  : i32 {
        %parallel_loop3A_208 = arith.index_cast %parallel_loop3A_207 : i32 to index
        %parallel_loop3A_209 = tpu.vector_load %arg11[%parallel_loop3A_208] {strides = array<i32>} : memref<1024xf32, #tpu.memory_space<vmem>>, vector<16xf32>,
        %parallel_loop3A_210 = arith.index_cast %parallel_loop3A_207 : i32 to index
        %parallel_loop3A_211 = tpu.vector_load %arg12[%parallel_loop3A_210] {strides = array<i32>} : memref<1024xf32, #tpu.memory_space<vmem>>, vector<16xf32>,
        %parallel_loop3A_212 = arith.index_cast %parallel_loop3A_207 : i32 to index
        %parallel_loop3A_213 = tpu.vector_load %arg13[%parallel_loop3A_212] {strides = array<i32>} : memref<1024xf32, #tpu.memory_space<vmem>>, vector<16xf32>,
        %parallel_loop3A_214 = arith.constant 31.9999676 : f32
        %parallel_loop3A_215 = vector.broadcast %parallel_loop3A_214 : f32 to vector<16xf32>
        %parallel_loop3A_216 = arith.mulf %parallel_loop3A_209, %parallel_loop3A_215 : vector<16xf32>
        %parallel_loop3A_217 = arith.constant 31.9999676 : f32
        %parallel_loop3A_218 = vector.broadcast %parallel_loop3A_217 : f32 to vector<16xf32>
        %parallel_loop3A_219 = arith.mulf %parallel_loop3A_211, %parallel_loop3A_218 : vector<16xf32>
        %parallel_loop3A_220 = arith.constant 31.9999676 : f32
        %parallel_loop3A_221 = vector.broadcast %parallel_loop3A_220 : f32 to vector<16xf32>
        %parallel_loop3A_222 = arith.mulf %parallel_loop3A_213, %parallel_loop3A_221 : vector<16xf32>
        %parallel_loop3A_223 = arith.fptosi %parallel_loop3A_216 : vector<16xf32> to vector<16xi32>
        %parallel_loop3A_224 = arith.fptosi %parallel_loop3A_219 : vector<16xf32> to vector<16xi32>
        %parallel_loop3A_225 = arith.fptosi %parallel_loop3A_222 : vector<16xf32> to vector<16xi32>
        %parallel_loop3A_226 = arith.sitofp %parallel_loop3A_223 : vector<16xi32> to vector<16xf32>
        %parallel_loop3A_227 = arith.subf %parallel_loop3A_216, %parallel_loop3A_226 : vector<16xf32>
        %parallel_loop3A_228 = arith.sitofp %parallel_loop3A_224 : vector<16xi32> to vector<16xf32>
        %parallel_loop3A_229 = arith.subf %parallel_loop3A_219, %parallel_loop3A_228 : vector<16xf32>
        %parallel_loop3A_230 = arith.sitofp %parallel_loop3A_225 : vector<16xi32> to vector<16xf32>
        %parallel_loop3A_231 = arith.subf %parallel_loop3A_222, %parallel_loop3A_230 : vector<16xf32>
        %parallel_loop3A_232 = arith.constant 33 : i32
        %parallel_loop3A_233 = vector.broadcast %parallel_loop3A_232 : i32 to vector<16xi32>
        %parallel_loop3A_234 = arith.muli %parallel_loop3A_224, %parallel_loop3A_233 : vector<16xi32>
        %parallel_loop3A_235 = arith.addi %parallel_loop3A_223, %parallel_loop3A_234 : vector<16xi32>
        %parallel_loop3A_236 = arith.constant 1089 : i32
        %parallel_loop3A_237 = vector.broadcast %parallel_loop3A_236 : i32 to vector<16xi32>
        %parallel_loop3A_238 = arith.muli %parallel_loop3A_225, %parallel_loop3A_237 : vector<16xi32>
        %parallel_loop3A_239 = arith.addi %parallel_loop3A_235, %parallel_loop3A_238 : vector<16xi32>
        %parallel_loop3A_240 = arith.constant 1.000000e+00 : f32
        %parallel_loop3A_241 = vector.broadcast %parallel_loop3A_240 : f32 to vector<16xf32>
        %parallel_loop3A_242 = arith.subf %parallel_loop3A_241, %parallel_loop3A_229 : vector<16xf32>
        %parallel_loop3A_243 = arith.constant 1.000000e+00 : f32
        %parallel_loop3A_244 = vector.broadcast %parallel_loop3A_243 : f32 to vector<16xf32>
        %parallel_loop3A_245 = arith.subf %parallel_loop3A_244, %parallel_loop3A_231 : vector<16xf32>
        %parallel_loop3A_246 = arith.mulf %parallel_loop3A_242, %parallel_loop3A_245 : vector<16xf32>
        %parallel_loop3A_247 = arith.mulf %parallel_loop3A_229, %parallel_loop3A_245 : vector<16xf32>
        %parallel_loop3A_248 = arith.mulf %parallel_loop3A_242, %parallel_loop3A_231 : vector<16xf32>
        %parallel_loop3A_249 = arith.mulf %parallel_loop3A_229, %parallel_loop3A_231 : vector<16xf32>
        %parallel_loop3A_250 = arith.constant 1 : i32
        %parallel_loop3A_251 = vector.broadcast %parallel_loop3A_250 : i32 to vector<16xi32>
        %parallel_loop3A_252 = arith.addi %parallel_loop3A_239, %parallel_loop3A_251 : vector<16xi32>
        %parallel_loop3A_253 = tpu.vector_load_idx %arg5[%parallel_loop3A_239] : memref<35944xf32, #tpu.memory_space<vmem>>[vector<16xi32>], vector<16xf32>,
        %parallel_loop3A_254 = tpu.vector_load_idx %arg5[%parallel_loop3A_252] : memref<35944xf32, #tpu.memory_space<vmem>>[vector<16xi32>], vector<16xf32>,
        %parallel_loop3A_255 = arith.subf %parallel_loop3A_254, %parallel_loop3A_253 : vector<16xf32>
        %parallel_loop3A_256 = arith.mulf %parallel_loop3A_227, %parallel_loop3A_255 : vector<16xf32>
        %parallel_loop3A_257 = arith.addf %parallel_loop3A_253, %parallel_loop3A_256 : vector<16xf32>
        %parallel_loop3A_258 = arith.mulf %parallel_loop3A_246, %parallel_loop3A_257 : vector<16xf32>
        %parallel_loop3A_259 = tpu.vector_load_idx %arg6[%parallel_loop3A_239] : memref<35944xf32, #tpu.memory_space<vmem>>[vector<16xi32>], vector<16xf32>,
        %parallel_loop3A_260 = tpu.vector_load_idx %arg6[%parallel_loop3A_252] : memref<35944xf32, #tpu.memory_space<vmem>>[vector<16xi32>], vector<16xf32>,
        %parallel_loop3A_261 = arith.subf %parallel_loop3A_260, %parallel_loop3A_259 : vector<16xf32>
        %parallel_loop3A_262 = arith.mulf %parallel_loop3A_227, %parallel_loop3A_261 : vector<16xf32>
        %parallel_loop3A_263 = arith.addf %parallel_loop3A_259, %parallel_loop3A_262 : vector<16xf32>
        %parallel_loop3A_264 = arith.mulf %parallel_loop3A_246, %parallel_loop3A_263 : vector<16xf32>
        %parallel_loop3A_265 = tpu.vector_load_idx %arg7[%parallel_loop3A_239] : memref<35944xf32, #tpu.memory_space<vmem>>[vector<16xi32>], vector<16xf32>,
        %parallel_loop3A_266 = tpu.vector_load_idx %arg7[%parallel_loop3A_252] : memref<35944xf32, #tpu.memory_space<vmem>>[vector<16xi32>], vector<16xf32>,
        %parallel_loop3A_267 = arith.subf %parallel_loop3A_266, %parallel_loop3A_265 : vector<16xf32>
        %parallel_loop3A_268 = arith.mulf %parallel_loop3A_227, %parallel_loop3A_267 : vector<16xf32>
        %parallel_loop3A_269 = arith.addf %parallel_loop3A_265, %parallel_loop3A_268 : vector<16xf32>
        %parallel_loop3A_270 = arith.mulf %parallel_loop3A_246, %parallel_loop3A_269 : vector<16xf32>
        %parallel_loop3A_271 = arith.constant 33 : i32
        %parallel_loop3A_272 = vector.broadcast %parallel_loop3A_271 : i32 to vector<16xi32>
        %parallel_loop3A_273 = arith.addi %parallel_loop3A_239, %parallel_loop3A_272 : vector<16xi32>
        %parallel_loop3A_274 = arith.constant 1 : i32
        %parallel_loop3A_275 = vector.broadcast %parallel_loop3A_274 : i32 to vector<16xi32>
        %parallel_loop3A_276 = arith.addi %parallel_loop3A_273, %parallel_loop3A_275 : vector<16xi32>
        %parallel_loop3A_277 = tpu.vector_load_idx %arg5[%parallel_loop3A_273] : memref<35944xf32, #tpu.memory_space<vmem>>[vector<16xi32>], vector<16xf32>,
        %parallel_loop3A_278 = tpu.vector_load_idx %arg5[%parallel_loop3A_276] : memref<35944xf32, #tpu.memory_space<vmem>>[vector<16xi32>], vector<16xf32>,
        %parallel_loop3A_279 = arith.subf %parallel_loop3A_278, %parallel_loop3A_277 : vector<16xf32>
        %parallel_loop3A_280 = arith.mulf %parallel_loop3A_227, %parallel_loop3A_279 : vector<16xf32>
        %parallel_loop3A_281 = arith.addf %parallel_loop3A_277, %parallel_loop3A_280 : vector<16xf32>
        %parallel_loop3A_282 = arith.mulf %parallel_loop3A_247, %parallel_loop3A_281 : vector<16xf32>
        %parallel_loop3A_283 = arith.addf %parallel_loop3A_258, %parallel_loop3A_282 : vector<16xf32>
        %parallel_loop3A_284 = tpu.vector_load_idx %arg6[%parallel_loop3A_273] : memref<35944xf32, #tpu.memory_space<vmem>>[vector<16xi32>], vector<16xf32>,
        %parallel_loop3A_285 = tpu.vector_load_idx %arg6[%parallel_loop3A_276] : memref<35944xf32, #tpu.memory_space<vmem>>[vector<16xi32>], vector<16xf32>,
        %parallel_loop3A_286 = arith.subf %parallel_loop3A_285, %parallel_loop3A_284 : vector<16xf32>
        %parallel_loop3A_287 = arith.mulf %parallel_loop3A_227, %parallel_loop3A_286 : vector<16xf32>
        %parallel_loop3A_288 = arith.addf %parallel_loop3A_284, %parallel_loop3A_287 : vector<16xf32>
        %parallel_loop3A_289 = arith.mulf %parallel_loop3A_247, %parallel_loop3A_288 : vector<16xf32>
        %parallel_loop3A_290 = arith.addf %parallel_loop3A_264, %parallel_loop3A_289 : vector<16xf32>
        %parallel_loop3A_291 = tpu.vector_load_idx %arg7[%parallel_loop3A_273] : memref<35944xf32, #tpu.memory_space<vmem>>[vector<16xi32>], vector<16xf32>,
        %parallel_loop3A_292 = tpu.vector_load_idx %arg7[%parallel_loop3A_276] : memref<35944xf32, #tpu.memory_space<vmem>>[vector<16xi32>], vector<16xf32>,
        %parallel_loop3A_293 = arith.subf %parallel_loop3A_292, %parallel_loop3A_291 : vector<16xf32>
        %parallel_loop3A_294 = arith.mulf %parallel_loop3A_227, %parallel_loop3A_293 : vector<16xf32>
        %parallel_loop3A_295 = arith.addf %parallel_loop3A_291, %parallel_loop3A_294 : vector<16xf32>
        %parallel_loop3A_296 = arith.mulf %parallel_loop3A_247, %parallel_loop3A_295 : vector<16xf32>
        %parallel_loop3A_297 = arith.addf %parallel_loop3A_270, %parallel_loop3A_296 : vector<16xf32>
        %parallel_loop3A_298 = arith.constant 1089 : i32
        %parallel_loop3A_299 = vector.broadcast %parallel_loop3A_298 : i32 to vector<16xi32>
        %parallel_loop3A_300 = arith.addi %parallel_loop3A_239, %parallel_loop3A_299 : vector<16xi32>
        %parallel_loop3A_301 = arith.constant 1 : i32
        %parallel_loop3A_302 = vector.broadcast %parallel_loop3A_301 : i32 to vector<16xi32>
        %parallel_loop3A_303 = arith.addi %parallel_loop3A_300, %parallel_loop3A_302 : vector<16xi32>
        %parallel_loop3A_304 = tpu.vector_load_idx %arg5[%parallel_loop3A_300] : memref<35944xf32, #tpu.memory_space<vmem>>[vector<16xi32>], vector<16xf32>,
        %parallel_loop3A_305 = tpu.vector_load_idx %arg5[%parallel_loop3A_303] : memref<35944xf32, #tpu.memory_space<vmem>>[vector<16xi32>], vector<16xf32>,
        %parallel_loop3A_306 = arith.subf %parallel_loop3A_305, %parallel_loop3A_304 : vector<16xf32>
        %parallel_loop3A_307 = arith.mulf %parallel_loop3A_227, %parallel_loop3A_306 : vector<16xf32>
        %parallel_loop3A_308 = arith.addf %parallel_loop3A_304, %parallel_loop3A_307 : vector<16xf32>
        %parallel_loop3A_309 = arith.mulf %parallel_loop3A_248, %parallel_loop3A_308 : vector<16xf32>
        %parallel_loop3A_310 = arith.addf %parallel_loop3A_283, %parallel_loop3A_309 : vector<16xf32>
        %parallel_loop3A_311 = tpu.vector_load_idx %arg6[%parallel_loop3A_300] : memref<35944xf32, #tpu.memory_space<vmem>>[vector<16xi32>], vector<16xf32>,
        %parallel_loop3A_312 = tpu.vector_load_idx %arg6[%parallel_loop3A_303] : memref<35944xf32, #tpu.memory_space<vmem>>[vector<16xi32>], vector<16xf32>,
        %parallel_loop3A_313 = arith.subf %parallel_loop3A_312, %parallel_loop3A_311 : vector<16xf32>
        %parallel_loop3A_314 = arith.mulf %parallel_loop3A_227, %parallel_loop3A_313 : vector<16xf32>
        %parallel_loop3A_315 = arith.addf %parallel_loop3A_311, %parallel_loop3A_314 : vector<16xf32>
        %parallel_loop3A_316 = arith.mulf %parallel_loop3A_248, %parallel_loop3A_315 : vector<16xf32>
        %parallel_loop3A_317 = arith.addf %parallel_loop3A_290, %parallel_loop3A_316 : vector<16xf32>
        %parallel_loop3A_318 = tpu.vector_load_idx %arg7[%parallel_loop3A_300] : memref<35944xf32, #tpu.memory_space<vmem>>[vector<16xi32>], vector<16xf32>,
        %parallel_loop3A_319 = tpu.vector_load_idx %arg7[%parallel_loop3A_303] : memref<35944xf32, #tpu.memory_space<vmem>>[vector<16xi32>], vector<16xf32>,
        %parallel_loop3A_320 = arith.subf %parallel_loop3A_319, %parallel_loop3A_318 : vector<16xf32>
        %parallel_loop3A_321 = arith.mulf %parallel_loop3A_227, %parallel_loop3A_320 : vector<16xf32>
        %parallel_loop3A_322 = arith.addf %parallel_loop3A_318, %parallel_loop3A_321 : vector<16xf32>
        %parallel_loop3A_323 = arith.mulf %parallel_loop3A_248, %parallel_loop3A_322 : vector<16xf32>
        %parallel_loop3A_324 = arith.addf %parallel_loop3A_297, %parallel_loop3A_323 : vector<16xf32>
        %parallel_loop3A_325 = arith.constant 1122 : i32
        %parallel_loop3A_326 = vector.broadcast %parallel_loop3A_325 : i32 to vector<16xi32>
        %parallel_loop3A_327 = arith.addi %parallel_loop3A_239, %parallel_loop3A_326 : vector<16xi32>
        %parallel_loop3A_328 = arith.constant 1 : i32
        %parallel_loop3A_329 = vector.broadcast %parallel_loop3A_328 : i32 to vector<16xi32>
        %parallel_loop3A_330 = arith.addi %parallel_loop3A_327, %parallel_loop3A_329 : vector<16xi32>
        %parallel_loop3A_331 = tpu.vector_load_idx %arg5[%parallel_loop3A_327] : memref<35944xf32, #tpu.memory_space<vmem>>[vector<16xi32>], vector<16xf32>,
        %parallel_loop3A_332 = tpu.vector_load_idx %arg5[%parallel_loop3A_330] : memref<35944xf32, #tpu.memory_space<vmem>>[vector<16xi32>], vector<16xf32>,
        %parallel_loop3A_333 = arith.subf %parallel_loop3A_332, %parallel_loop3A_331 : vector<16xf32>
        %parallel_loop3A_334 = arith.mulf %parallel_loop3A_227, %parallel_loop3A_333 : vector<16xf32>
        %parallel_loop3A_335 = arith.addf %parallel_loop3A_331, %parallel_loop3A_334 : vector<16xf32>
        %parallel_loop3A_336 = arith.mulf %parallel_loop3A_249, %parallel_loop3A_335 : vector<16xf32>
        %parallel_loop3A_337 = arith.addf %parallel_loop3A_310, %parallel_loop3A_336 : vector<16xf32>
        %parallel_loop3A_338 = tpu.vector_load_idx %arg6[%parallel_loop3A_327] : memref<35944xf32, #tpu.memory_space<vmem>>[vector<16xi32>], vector<16xf32>,
        %parallel_loop3A_339 = tpu.vector_load_idx %arg6[%parallel_loop3A_330] : memref<35944xf32, #tpu.memory_space<vmem>>[vector<16xi32>], vector<16xf32>,
        %parallel_loop3A_340 = arith.subf %parallel_loop3A_339, %parallel_loop3A_338 : vector<16xf32>
        %parallel_loop3A_341 = arith.mulf %parallel_loop3A_227, %parallel_loop3A_340 : vector<16xf32>
        %parallel_loop3A_342 = arith.addf %parallel_loop3A_338, %parallel_loop3A_341 : vector<16xf32>
        %parallel_loop3A_343 = arith.mulf %parallel_loop3A_249, %parallel_loop3A_342 : vector<16xf32>
        %parallel_loop3A_344 = arith.addf %parallel_loop3A_317, %parallel_loop3A_343 : vector<16xf32>
        %parallel_loop3A_345 = tpu.vector_load_idx %arg7[%parallel_loop3A_327] : memref<35944xf32, #tpu.memory_space<vmem>>[vector<16xi32>], vector<16xf32>,
        %parallel_loop3A_346 = tpu.vector_load_idx %arg7[%parallel_loop3A_330] : memref<35944xf32, #tpu.memory_space<vmem>>[vector<16xi32>], vector<16xf32>,
        %parallel_loop3A_347 = arith.subf %parallel_loop3A_346, %parallel_loop3A_345 : vector<16xf32>
        %parallel_loop3A_348 = arith.mulf %parallel_loop3A_227, %parallel_loop3A_347 : vector<16xf32>
        %parallel_loop3A_349 = arith.addf %parallel_loop3A_345, %parallel_loop3A_348 : vector<16xf32>
        %parallel_loop3A_350 = arith.mulf %parallel_loop3A_249, %parallel_loop3A_349 : vector<16xf32>
        %parallel_loop3A_351 = arith.addf %parallel_loop3A_324, %parallel_loop3A_350 : vector<16xf32>
        %parallel_loop3A_352 = arith.index_cast %parallel_loop3A_207 : i32 to index
        %parallel_loop3A_353 = tpu.vector_load %arg17[%parallel_loop3A_352] {strides = array<i32>} : memref<1024xf32, #tpu.memory_space<vmem>>, vector<16xf32>,
        tpu.vector_store %arg17[%parallel_loop3A_352], %parallel_loop3A_337 {strides = array<i32>} : memref<1024xf32, #tpu.memory_space<vmem>>, vector<16xf32>,
        %parallel_loop3A_354 = arith.index_cast %parallel_loop3A_207 : i32 to index
        %parallel_loop3A_355 = tpu.vector_load %arg18[%parallel_loop3A_354] {strides = array<i32>} : memref<1024xf32, #tpu.memory_space<vmem>>, vector<16xf32>,
        tpu.vector_store %arg18[%parallel_loop3A_354], %parallel_loop3A_344 {strides = array<i32>} : memref<1024xf32, #tpu.memory_space<vmem>>, vector<16xf32>,
        %parallel_loop3A_356 = arith.index_cast %parallel_loop3A_207 : i32 to index
        %parallel_loop3A_357 = tpu.vector_load %arg19[%parallel_loop3A_356] {strides = array<i32>} : memref<1024xf32, #tpu.memory_space<vmem>>, vector<16xf32>,
        tpu.vector_store %arg19[%parallel_loop3A_356], %parallel_loop3A_351 {strides = array<i32>} : memref<1024xf32, #tpu.memory_space<vmem>>, vector<16xf32>,
      } {sc.loop_unroll_factor = 2 : i64, sc.parallel_access}
      %mul3A_177 = arith.constant 1024 : i32
      %mul3A_178 = arith.muli %add3A_149, %mul3A_177 : i32
      %add3A_179 = arith.addi %mul3A_32, %mul3A_178 : i32
      %mul3A_180 = arith.constant 3 : i32
      %mul3A_181 = arith.muli %select_n3A, %mul3A_180 : i32
      %add3A_182 = arith.constant 0 : i32
      %add3A_183 = arith.addi %mul3A_181, %add3A_182 : i32
      %mul3A_184 = arith.constant 262144 : i32
      %mul3A_185 = arith.muli %add3A_183, %mul3A_184 : i32
      %add3A_186 = arith.addi %mul3A_185, %add3A_179 : i32
      %dma_start3A_187 = tpu.memref_slice %arg4[%add3A_186] : memref<12582912xf32, #tpu.memory_space<hbm>> -> memref<1024xf32, #tpu.memory_space<hbm>>
      %dma_start3A_188 = tpu.memref_slice %arg4[%add3A_186] : memref<12582912xf32, #tpu.memory_space<hbm>> -> memref<1024xf32, #tpu.memory_space<hbm>>
      tpu.enqueue_dma source(%arg17 : memref<1024xf32, #tpu.memory_space<vmem>>) target(%dma_start3A_188 : memref<1024xf32, #tpu.memory_space<hbm>>) target_semaphore(%arg23 : memref<!tpu.dma_semaphore, #tpu.memory_space<semaphore_mem>>)
      %mul3A_189 = arith.constant 3 : i32
      %mul3A_190 = arith.muli %select_n3A, %mul3A_189 : i32
      %add3A_191 = arith.constant 1 : i32
      %add3A_192 = arith.addi %mul3A_190, %add3A_191 : i32
      %mul3A_193 = arith.constant 262144 : i32
      %mul3A_194 = arith.muli %add3A_192, %mul3A_193 : i32
      %add3A_195 = arith.addi %mul3A_194, %add3A_179 : i32
      %dma_start3A_196 = tpu.memref_slice %arg4[%add3A_195] : memref<12582912xf32, #tpu.memory_space<hbm>> -> memref<1024xf32, #tpu.memory_space<hbm>>
      %dma_start3A_197 = tpu.memref_slice %arg4[%add3A_195] : memref<12582912xf32, #tpu.memory_space<hbm>> -> memref<1024xf32, #tpu.memory_space<hbm>>
      tpu.enqueue_dma source(%arg18 : memref<1024xf32, #tpu.memory_space<vmem>>) target(%dma_start3A_197 : memref<1024xf32, #tpu.memory_space<hbm>>) target_semaphore(%arg23 : memref<!tpu.dma_semaphore, #tpu.memory_space<semaphore_mem>>)
      %mul3A_198 = arith.constant 3 : i32
      %mul3A_199 = arith.muli %select_n3A, %mul3A_198 : i32
      %add3A_200 = arith.constant 2 : i32
      %add3A_201 = arith.addi %mul3A_199, %add3A_200 : i32
      %mul3A_202 = arith.constant 262144 : i32
      %mul3A_203 = arith.muli %add3A_201, %mul3A_202 : i32
      %add3A_204 = arith.addi %mul3A_203, %add3A_179 : i32
      %dma_start3A_205 = tpu.memref_slice %arg4[%add3A_204] : memref<12582912xf32, #tpu.memory_space<hbm>> -> memref<1024xf32, #tpu.memory_space<hbm>>
      %dma_start3A_206 = tpu.memref_slice %arg4[%add3A_204] : memref<12582912xf32, #tpu.memory_space<hbm>> -> memref<1024xf32, #tpu.memory_space<hbm>>
      tpu.enqueue_dma source(%arg19 : memref<1024xf32, #tpu.memory_space<vmem>>) target(%dma_start3A_206 : memref<1024xf32, #tpu.memory_space<hbm>>) target_semaphore(%arg23 : memref<!tpu.dma_semaphore, #tpu.memory_space<semaphore_mem>>)
    }
    %scan3A_64 = arith.constant 64 : i32
    %dma_wait3A = arith.constant 0 : i32
    %dma_wait3A_65 = tpu.memref_slice %arg4[%dma_wait3A] : memref<12582912xf32, #tpu.memory_space<hbm>> -> memref<1024xf32, #tpu.memory_space<hbm>>
    %dma_wait3A_66 = arith.constant 0 : i32
    %dma_wait3A_67 = tpu.memref_slice %arg4[%dma_wait3A_66] : memref<12582912xf32, #tpu.memory_space<hbm>> -> memref<1024xf32, #tpu.memory_space<hbm>>
    tpu.wait_dma2 semaphore(%arg22 : memref<!tpu.dma_semaphore, #tpu.memory_space<semaphore_mem>>) src(%arg14 : memref<1024xf32, #tpu.memory_space<vmem>>) dst(%dma_wait3A_67 : memref<1024xf32, #tpu.memory_space<hbm>>)
    %dma_wait3A_68 = arith.constant 0 : i32
    %dma_wait3A_69 = tpu.memref_slice %arg4[%dma_wait3A_68] : memref<12582912xf32, #tpu.memory_space<hbm>> -> memref<1024xf32, #tpu.memory_space<hbm>>
    %dma_wait3A_70 = arith.constant 0 : i32
    %dma_wait3A_71 = tpu.memref_slice %arg4[%dma_wait3A_70] : memref<12582912xf32, #tpu.memory_space<hbm>> -> memref<1024xf32, #tpu.memory_space<hbm>>
    tpu.wait_dma2 semaphore(%arg22 : memref<!tpu.dma_semaphore, #tpu.memory_space<semaphore_mem>>) src(%arg15 : memref<1024xf32, #tpu.memory_space<vmem>>) dst(%dma_wait3A_71 : memref<1024xf32, #tpu.memory_space<hbm>>)
    %dma_wait3A_72 = arith.constant 0 : i32
    %dma_wait3A_73 = tpu.memref_slice %arg4[%dma_wait3A_72] : memref<12582912xf32, #tpu.memory_space<hbm>> -> memref<1024xf32, #tpu.memory_space<hbm>>
    %dma_wait3A_74 = arith.constant 0 : i32
    %dma_wait3A_75 = tpu.memref_slice %arg4[%dma_wait3A_74] : memref<12582912xf32, #tpu.memory_space<hbm>> -> memref<1024xf32, #tpu.memory_space<hbm>>
    tpu.wait_dma2 semaphore(%arg22 : memref<!tpu.dma_semaphore, #tpu.memory_space<semaphore_mem>>) src(%arg16 : memref<1024xf32, #tpu.memory_space<vmem>>) dst(%dma_wait3A_75 : memref<1024xf32, #tpu.memory_space<hbm>>)
    %dma_wait3A_76 = arith.constant 0 : i32
    %dma_wait3A_77 = tpu.memref_slice %arg4[%dma_wait3A_76] : memref<12582912xf32, #tpu.memory_space<hbm>> -> memref<1024xf32, #tpu.memory_space<hbm>>
    %dma_wait3A_78 = arith.constant 0 : i32
    %dma_wait3A_79 = tpu.memref_slice %arg4[%dma_wait3A_78] : memref<12582912xf32, #tpu.memory_space<hbm>> -> memref<1024xf32, #tpu.memory_space<hbm>>
    tpu.wait_dma2 semaphore(%arg23 : memref<!tpu.dma_semaphore, #tpu.memory_space<semaphore_mem>>) src(%arg17 : memref<1024xf32, #tpu.memory_space<vmem>>) dst(%dma_wait3A_79 : memref<1024xf32, #tpu.memory_space<hbm>>)
    %dma_wait3A_80 = arith.constant 0 : i32
    %dma_wait3A_81 = tpu.memref_slice %arg4[%dma_wait3A_80] : memref<12582912xf32, #tpu.memory_space<hbm>> -> memref<1024xf32, #tpu.memory_space<hbm>>
    %dma_wait3A_82 = arith.constant 0 : i32
    %dma_wait3A_83 = tpu.memref_slice %arg4[%dma_wait3A_82] : memref<12582912xf32, #tpu.memory_space<hbm>> -> memref<1024xf32, #tpu.memory_space<hbm>>
    tpu.wait_dma2 semaphore(%arg23 : memref<!tpu.dma_semaphore, #tpu.memory_space<semaphore_mem>>) src(%arg18 : memref<1024xf32, #tpu.memory_space<vmem>>) dst(%dma_wait3A_83 : memref<1024xf32, #tpu.memory_space<hbm>>)
    %dma_wait3A_84 = arith.constant 0 : i32
    %dma_wait3A_85 = tpu.memref_slice %arg4[%dma_wait3A_84] : memref<12582912xf32, #tpu.memory_space<hbm>> -> memref<1024xf32, #tpu.memory_space<hbm>>
    %dma_wait3A_86 = arith.constant 0 : i32
    %dma_wait3A_87 = tpu.memref_slice %arg4[%dma_wait3A_86] : memref<12582912xf32, #tpu.memory_space<hbm>> -> memref<1024xf32, #tpu.memory_space<hbm>>
    tpu.wait_dma2 semaphore(%arg23 : memref<!tpu.dma_semaphore, #tpu.memory_space<semaphore_mem>>) src(%arg19 : memref<1024xf32, #tpu.memory_space<vmem>>) dst(%dma_wait3A_87 : memref<1024xf32, #tpu.memory_space<hbm>>)
    return
  }
}

</mosaic_0001>

<sc_bundles>
// kernel: kernel.3.cloned.1.call-start
scs
__scs_entry_jumppad:
0x0: {  	(pc) =	sbr.rel $0x88, $3  }
0x1: {  	(tag) =	ssettag $0x0;
	lr =	simm.s32 $0x1  }
0x2: {  	[smem:$0x3F9F] =	sst lr;
	_ =	strace $0xD0000000  }
0x3: {  	_ = 	snop  }
0x4: {  	_ = 	snop  }
0x5: {  	_ = 	snop  }
0x6: {  	_ = 	snop  }
0x7: {  	_ = 	snop  }
__scs_overlays_trampoline_lowered:
0x8: {  	[smem:$0x3FAE] =	sst s0  }
0x9: {  	[smem:$0x3FAF] =	sst s1  }
0xa: {  	[smem:$0x3FB0] =	sst s2  }
0xb: {  	[smem:$0x3FB1] =	sst s3  }
0xc: {  	[smem:$0x3FB2] =	sst s4  }
0xd: {  	[smem:$0x3FB3] =	sst s5  }
0xe: {  	[smem:$0x3FB4] =	sst s6  }
0xf: {  	[smem:$0x3FB5] =	sst s7  }
0x10: {  	[smem:$0x3FB6] =	sst s8  }
0x11: {  	[smem:$0x3FB7] =	sst s9;
	s0 =	simm.s32 @!p0 $0x0  }
0x12: {  	s1 =	sld [smem:$0x3F9D];
	s0 =	simm.s32 @p0 $0x1  }
0x13: {  	[smem:$0x3FB8] =	sst s0;
	s0 =	simm.s32 @!p1 $0x0  }
0x14: {  	s2 =	sld [smem:$0x3F9C];
	s0 =	simm.s32 @p1 $0x1  }
0x15: {  	[smem:$0x3FB9] =	sst s0;
	s0 =	simm.s32 @!p2 $0x0  }
0x16: {  	s3 =	sld [smem:$0x3FDB];
	s0 =	simm.s32 @p2 $0x1  }
0x17: {  	s4 =	simm.s32 $0x1BF5;
	[smem:$0x3FBB] =	sst s0  }
0x18: {  	s0 =	sld [smem:$0x3F9E];
	_ =	swait.ge [sflag:s4], $0x0  }
0x19: {  	s7 =	sld [smem:$0x3F9F]  }
0x1a: {  	s8 =	sadd.s32 $0xFFFFE003, lr  }
0x1b: {  	s9 =	sadd.s32 $0xFFFFFEF7, lr;
	s5 =	simm.s32 $0xFFFFFFFF;
	p2 =	slt.u32 s8, $0xFFFFF086  }
0x1c: {  	p1 =	slt.u32 s9, $0xF7A;
	s5 =	simm.s32 @!p2 $0x0  }
0x1d: {  	s5 =	simm.s32 @p1 $0x1;
	p0 =	seq.s32 s7, s2  }
0x1e: {  	s7 =	smul.u32 @!p0 $0xF7A, s2;
	p2 =	seq.s32 @!p0 s5, $0x0  }
0x1f: {  	s9 =	smul.u32 $0xF7A, s1;
	s8 =	simm.s32 @!p0 $0x1BF5;
	p2 =	por !p2, p0  }
0x20: {  	[sflag:s8] =	ssyncset.s32 @!p0 $0xFFFFF086;
	s6 =	sadd.s32 @!p0 s3, s7;
	s7 =	simm.s32 @!p0 $0x108  }
0x21: {  	s3 =	sadd.s32 s3, s9;
	s6 =	sadd.s32 @!p0 $0x88, s6;
	s7 =	simm.s32 @p2 $0x1082  }
0x22: {  	[simem:s7], [sflag:s8] =	dma.local @!p0 [hbm:s6], $0xF7A  }
0x23: {  	s9 =	sor.u32 $0xD0000000, s2;
	s6 =	simm.s32 $0x108;
	_ =	swait.ge @!p0 [sflag:s8], $0x0  }
0x24: {  	s3 =	sadd.s32 $0x88, s3;
	s6 =	simm.s32 @!p1 $0x1082;
	[sflag:s4] =	ssyncset.s32 $0xFFFFF086  }
0x25: {  	[simem:s6], [sflag:s4] =	dma.local [hbm:s3], $0xF7A  }
0x26: {  	[smem:$0x3F9F] =	sst s1;
	(tag) =	ssettag s2;
	_ =	strace s9  }
0x27: {  	s1 =	sld [smem:$0x3FAF]  }
0x28: {  	s2 =	sld [smem:$0x3FB0]  }
0x29: {  	s4 =	sld [smem:$0x3FB2]  }
0x2a: {  	p0 =	seq.s32 s5, $0x0;
	s5 =	sld [smem:$0x3FB3]  }
0x2b: {  	s6 =	sld [smem:$0x3FB4]  }
0x2c: {  	s7 =	sld [smem:$0x3FB5]  }
0x2d: {  	s3 =	simm.s32 $0x108;
	s8 =	sld [smem:$0x3FB6]  }
0x2e: {  	s3 =	simm.s32 @!p0 $0x1082;
	s9 =	sld [smem:$0x3FB7]  }
0x2f: {  	lr =	sadd.s32 s0, s3;
	s0 =	sld [smem:$0x3FAE]  }
0x30: {  	s3 =	sld [smem:$0x3FB1]  }
0x31: {  	[smem:$0x3FBA] =	sst s10  }
0x32: {  	s10 =	sld [smem:$0x3FB8];
	_ =	sdelay $0x3  }
0x33: {  	p0 =	seq.s32 s10, $0x1;
	s10 =	sld [smem:$0x3FBA];
	_ =	sdelay $0x3  }
0x34: {  	[smem:$0x3FBA] =	sst s10  }
0x35: {  	s10 =	sld [smem:$0x3FB9];
	_ =	sdelay $0x3  }
0x36: {  	p1 =	seq.s32 s10, $0x1;
	s10 =	sld [smem:$0x3FBA];
	_ =	sdelay $0x3  }
0x37: {  	[smem:$0x3FBA] =	sst s10  }
0x38: {  	s10 =	sld [smem:$0x3FBB]  }
0x39: {  	_ = 	snop;
	(pc) =	sbr.ind lr, $3  }
0x3a: {  	_ = 	snop  }
0x3b: {  	_ = 	snop  }
0x3c: {  	p2 =	seq.s32 s10, $0x1;
	s10 =	sld [smem:$0x3FBA]  }
0x3d: {  	_ =	shalt  }
0x3e: {  	_ =	shalt  }
0x3f: {  	_ =	shalt  }
0x40: {  	_ =	shalt  }
0x41: {  	_ =	shalt  }
0x42: {  	_ =	shalt  }
0x43: {  	_ =	shalt  }
0x44: {  	_ =	shalt  }
0x45: {  	_ =	shalt  }
0x46: {  	_ =	shalt  }
0x47: {  	_ =	shalt  }
0x48: {  	_ =	shalt  }
0x49: {  	_ =	shalt  }
0x4a: {  	_ =	shalt  }
0x4b: {  	_ =	shalt  }
0x4c: {  	_ =	shalt  }
0x4d: {  	_ =	shalt  }
0x4e: {  	_ =	shalt  }
0x4f: {  	_ =	shalt  }
0x50: {  	_ =	shalt  }
0x51: {  	_ =	shalt  }
0x52: {  	_ =	shalt  }
0x53: {  	_ =	shalt  }
0x54: {  	_ =	shalt  }
0x55: {  	_ =	shalt  }
0x56: {  	_ =	shalt  }
0x57: {  	_ =	shalt  }
0x58: {  	_ =	shalt  }
0x59: {  	_ =	shalt  }
0x5a: {  	_ =	shalt  }
0x5b: {  	_ =	shalt  }
0x5c: {  	_ =	shalt  }
0x5d: {  	_ =	shalt  }
0x5e: {  	_ =	shalt  }
0x5f: {  	_ =	shalt  }
0x60: {  	_ =	shalt  }
0x61: {  	_ =	shalt  }
0x62: {  	_ =	shalt  }
0x63: {  	_ =	shalt  }
0x64: {  	_ =	shalt  }
0x65: {  	_ =	shalt  }
0x66: {  	_ =	shalt  }
0x67: {  	_ =	shalt  }
0x68: {  	_ =	shalt  }
0x69: {  	_ =	shalt  }
0x6a: {  	_ =	shalt  }
0x6b: {  	_ =	shalt  }
0x6c: {  	_ =	shalt  }
0x6d: {  	_ =	shalt  }
0x6e: {  	_ =	shalt  }
0x6f: {  	_ =	shalt  }
0x70: {  	_ =	shalt  }
0x71: {  	_ =	shalt  }
0x72: {  	_ =	shalt  }
0x73: {  	_ =	shalt  }
0x74: {  	_ =	shalt  }
0x75: {  	_ =	shalt  }
0x76: {  	_ =	shalt  }
0x77: {  	_ =	shalt  }
0x78: {  	_ =	shalt  }
0x79: {  	_ =	shalt  }
0x7a: {  	_ =	shalt  }
0x7b: {  	_ =	shalt  }
0x7c: {  	_ =	shalt  }
0x7d: {  	_ =	shalt  }
0x7e: {  	_ =	shalt  }
0x7f: {  	_ =	shalt  }
0x80: {  	_ =	shalt  }
0x81: {  	_ =	shalt  }
0x82: {  	_ =	shalt  }
0x83: {  	_ =	shalt  }
0x84: {  	_ =	shalt  }
0x85: {  	_ =	shalt  }
0x86: {  	_ =	shalt  }
0x87: {  	_ =	shalt  }
.Lfunc_end0:
.L_simem_size_0:
called_computation.1_lowered:
.L_overlay_start_0:
0x88: {  	s2 =	sld [smem:$0x3FD9]  }
0x89: {  	s3 =	sld [smem:$0x3FFE];
	_ =	sdelay $0x1  }
0x8a: {  	s1 =	srdreg.scid  }
0x8b: {  	s0 =	sand.u32 $0x1, s1  }
0x8c: {  	s17 =	sshll.u32 s0, $0xA;
	s2 =	sadd.s32 s3, s2  }
0x8d: {  	s2 =	sadd.s32 s2, s17  }
0x8e: {  	[smem:$0x3FC6] =	sst s2  }
0x8f: {  	_ = 	snop  }
0x90: {  	s2 =	sld [smem:$0x3FD0];
	(tm) =	ssettm $0x1  }
0x91: {  	s18 =	sld [smem:$0x3FFB];
	_ =	sdelay $0x3  }
0x92: {  	_ =	strace s18  }
0x93: {  	s3 =	sld [smem:$0x3FFC];
	_ =	sdelay $0x3  }
0x94: {  	_ =	strace s3  }
0x95: {  	s3 =	sld [smem:$0x3FFD];
	_ =	sdelay $0x3  }
0x96: {  	_ =	strace s3  }
0x97: {  	_ =	strace $0x8FFFFFFF  }
0x98: {  	s19 =	sld [smem:$0x3FDB];
	_ =	sdelay $0x1  }
0x99: {  	s4 =	simm.s32 $_scs_section_size  }
0x9a: {  	s5 =	simm.s32 $_size__tile_overlayer_lowered;
	s6 =	simm.s32 $_tile_overlayer_lowered  }
0x9b: {  	s22 =	simm.s32 $0x1BFF;
	s21 =	sshll.u32 s6, $0x1;
	s3 =	sadd.s32 s4, s19  }
0x9c: {  	s7 =	simm.s32 $0x0;
	s20 =	sshll.u32 s5, $0x1;
	s5 =	sadd.s32 s21, s3  }
0x9d: {  	[timem:s7], [sflag:s22] =	dma.local [hbm:s5], s20  }
0x9e: {  	_ =	swait.ge [sflag:s22], s20  }
0x9f: {  	s4 =	ssub.s32 $0x0, s20;
	[sflag:s22] =	ssyncset.done $0x0  }
0xa0: {  	[sflag:s22] =	ssyncadd.s32 s4;
	_ =	sdelay $0x1  }
0xa1: {  	s23 =	simm.s32 $0x1B8B  }
0xa2: {  	_ =	swait.ge [sflag:s23], $0x1  }
0xa3: {  	[sflag:s23] =	ssyncset.done $0x0  }
0xa4: {  	s25 =	simm.s32 $0x1B8E;
	s24 =	sld [smem:$0x3FFE];
	[sflag:s23] =	ssyncadd.s32 $0xFFFFFFFF  }
0xa5: {  	s26 =	simm.s32 $execute0_lowered;
	[smem:$0x3FD2] =	sst s25  }
0xa6: {  	s5 =	sshll.u32 s26, $0x1;
	_ =	strace $0x80000049;
	[dreg:$0x1] =	wrdreg $0xFFFFFFFF  }
0xa7: {  	s28 =	simm.s32 $_size_execute0_lowered;
	s3 =	sadd.s32 s3, s5;
	[dreg:$0x0] =	wrdreg $0x0  }
0xa8: {  	s5 =	sshll.u32 s28, $0x1;
	[dreg:$0x2] =	wrdreg s3  }
0xa9: {  	[dreg:$0x3] =	wrdreg s5  }
0xaa: {  	[dreg:$0x4] =	wrdreg $0xC0  }
0xab: {  	_ =	task [dreg:s7], $0x5FFFF  }
0xac: {  	[dreg:$0x1] =	wrdreg $0xFFFFFFFF  }
0xad: {  	[dreg:$0x0] =	wrdreg $0x60  }
0xae: {  	[dreg:$0x2] =	wrdreg s24  }
0xaf: {  	[dreg:$0x3] =	wrdreg s2  }
0xb0: {  	[dreg:$0x4] =	wrdreg $0x9  }
0xb1: {  	_ =	task.clear_ibuf [dreg:s7], $0x5FFFF;
	_ =	strace $0x90000049  }
0xb2: {  	s29 =	simm.s32 $0x9;
	_ =	strace $0x8000004B  }
0xb3: {  	_ =	swait.ge [sflag:s29], $0x1  }
0xb4: {  	[sflag:s29] =	ssyncadd.s32 $0xFFFFFFFF  }
0xb5: {  	_ =	strace $0x9000004B  }
0xb6: {  	_ =	sfence  }
0xb7: {  	s30 =	sld [smem:$0x0];
	_ =	sdelay $0x2  }
0xb8: {  	s31 =	sshll.u32 s1, $0xD;
	s1 =	sshrl.u32 s1, $0x2  }
0xb9: {  	s3 =	sand.u32 $0x4000, s31;
	s1 =	sadd.s32 s1, s30  }
0xba: {  	s0 =	sor.u32 s3, s0;
	s1 =	sshll.u32 s1, $0x11  }
0xbb: {  	s0 =	sor.u32 s1, s0  }
0xbc: {  	s0 =	sadd.s32 $0x8F2B, s0  }
0xbd: {  	[sflag:s0] =	ssyncadd.remote.s32 $0x1  }
0xbe: {  	_ =	sfence.sel $0xFFFF  }
0xbf: {  	[dreg:$0x0] =	wrdreg $0xFFFFFFFF;
	(pc) =	sbr.abs _section_cstart, $3  }
0xc0: {  	[dreg:$0x1] =	wrdreg $0xFFFFFFFF  }
0xc1: {  	_ =	task.clear_ibuf [dreg:s7], $0x2FFFF;
	_ =	strace $0x9FFFFFFF  }
0xc2: {  	(tm) =	ssettm $0x7FFFFFFF  }
0xc3: {  	_ =	shalt  }
tec
execute0_lowered:
.L_overlay_start_1:
0x0: {  	(tag) =	ssettag $0x1  }
0x1: {  	s0 =	rddreg [dreg:$0x0];
	s1 =	srdreg.scid  }
0x2: {  	s2 =	rddreg [dreg:$0x1];
	s8 =	stileid.u32  }
0x3: {  	s3 =	simm.s32 $0x0;
	s20 =	simm.s32 $0x8C80;
	s21 =	simm.s32 $0x11900  }
0x4: {  	s31 =	simm.s32 $0x1C580;
	s10 =	simm.s32 $0x0;
	s1 =	sand.u32 $0x1, s1  }
0x5: {  	[smem:$0x7FF] =	sst s3;
	s5 =	sadd.s32 $0xA00, s0;
	s22 =	sadd.s32 $0x1B8D, s0  }
0x6: {  	s4 =	sor.u32 s1, s8;
	p1 =	seq.s32 s1, $0x1;
	_ =	strace $0x8000004A  }
0x7: {  	[dreg:$0x3] =	wrdreg s5;
	s6 =	ssub.s32 $0x2, s1;
	p0 =	seq.s32 s4, $0x0  }
0x8: {  	s5 =	sadd.s32 $0x4000, s0;
	[dreg:$0x4] =	wrdreg s22;
	p0 =	por !p0, !p1  }
0x9: {  	s0 =	sadd.s32 $0x2D1A, s0;
	s4 =	simm.s32 $0x1;
	p0 =	por !p0, !p0  }
0xa: {  	s22 =	simm.s32 $0x1CD80;
	s7 =	sshrl.u32 s6, $0x1;
	s4 =	simm.s32 @!p0 $0x0  }
0xb: {  	[dreg:$0x5] =	wrdreg s0;
	s9 =	ssub.s32 s6, s7;
	s4 =	ssub.s32 s8, s4  }
0xc: {  	s6 =	simm.s32 $0x1;
	s30 =	smax.u32 s9, $0x1;
	s7 =	smul.u32 $0xC0000, s4  }
0xd: {  	[dreg:$0x9] =	wrdreg s30;
	s8 =	sshll.u32 s1, $0x11;
	s1 =	simm.s32 $0x1C980  }
0xe: {  	s16 =	sor.u32 $0x400, s8;
	s23 =	sor.u32 s8, s7;
	s11 =	sadd.s32 $0x40000, s7  }
0xf: {  	s12 =	sadd.s32 $0x80000, s7;
	s0 =	sshrl.u32 s23, $0x3;
	s24 =	sor.u32 s8, s11  }
0x10: {  	s25 =	sor.u32 s8, s12;
	s0 =	sadd.s32 s2, s0;
	s26 =	sshrl.u32 s24, $0x3  }
0x11: {  	s28 =	sshrl.u32 s25, $0x3;
	[dreg:$0x6] =	wrdreg s0;
	s0 =	sadd.s32 s2, s26  }
0x12: {  	s17 =	sor.u32 $0x800, s8;
	s29 =	sadd.s32 s2, s28;
	[dreg:$0x7] =	wrdreg s0  }
0x13: {  	s23 =	simm.s32 $0x1D180;
	[dreg:$0x8] =	wrdreg s29;
	s0 =	simm.s32 $0x2  }
.LBB2_1:
0x14: {  	[dreg:$0xa] =	wrdreg s10  }
0x15: {  	s4 =	rddreg [dreg:$0x3];
	s9 =	simm.s32 $0x5  }
0x16: {  	[tilespmem:s3], [sflag:$0x5] =	stream.linear.gather [hbm4b:s4+s3], $0x8C68, $0x38;
	[tilespmem:$0x1D580] =	vst v63  }
0x17: {  	_ =	swait.ge [sflag:s9], $0x8C68  }
0x18: {  	[sflag:s9] =	ssyncset.done $0x0  }
0x19: {  	s18 =	rddreg [dreg:$0x4];
	[sflag:s9] =	ssyncadd.s32 $0xFFFF7398  }
0x1a: {  	[tilespmem:s20], [sflag:$0x5] =	stream.linear.gather [hbm4b:s18+s3], $0x8C68, $0x38;
	[tilespmem:$0x1D580] =	vst v63  }
0x1b: {  	_ =	swait.ge [sflag:s9], $0x8C68  }
0x1c: {  	[sflag:s9] =	ssyncset.done $0x0  }
0x1d: {  	s19 =	rddreg [dreg:$0x5];
	[sflag:s9] =	ssyncadd.s32 $0xFFFF7398  }
0x1e: {  	[tilespmem:s21], [sflag:$0x5] =	stream.linear.gather [hbm4b:s19+s3], $0x8C68, $0x38;
	[tilespmem:$0x1D580] =	vst v63  }
0x1f: {  	_ =	swait.ge [sflag:s9], $0x8C68  }
0x20: {  	[sflag:s9] =	ssyncset.done $0x0  }
0x21: {  	s25 =	simm.s32 $0x1A580;
	s24 =	rddreg [dreg:$0x6];
	[sflag:s9] =	ssyncadd.s32 $0xFFFF7398  }
0x22: {  	[tilespmem:s25], [sflag:$0x1] =	stream.linear.gather [hbm4b:s24+s3], $0x400, $0x38;
	[tilespmem:$0x1D580] =	vst v63  }
0x23: {  	s28 =	simm.s32 $0x1A980;
	s26 =	rddreg [dreg:$0x7]  }
0x24: {  	[tilespmem:s28], [sflag:$0x1] =	stream.linear.gather [hbm4b:s26+s3], $0x400, $0x38;
	[tilespmem:$0x1D580] =	vst v63  }
0x25: {  	s30 =	simm.s32 $0x1AD80;
	s10 =	simm.s32 $0x0;
	s29 =	rddreg [dreg:$0x8]  }
0x26: {  	[tilespmem:s30], [sflag:$0x1] =	stream.linear.gather [hbm4b:s29+s3], $0x400, $0x38;
	[tilespmem:$0x1D580] =	vst v63  }
.LBB2_2:
0x27: {  	s18 =	sshll.u32 s10, $0xB  }
0x28: {  	s4 =	sadd.s32 s16, s18  }
0x29: {  	s9 =	sor.u32 s7, s4  }
0x2a: {  	s13 =	sshrl.u32 s9, $0x3  }
0x2b: {  	s14 =	simm.s32 $0x1B180;
	s15 =	sor.u32 s11, s4;
	s9 =	sadd.s32 s2, s13  }
0x2c: {  	[tilespmem:s14], [sflag:$0x2] =	stream.linear.gather [hbm4b:s9+s3], $0x400, $0x38;
	[tilespmem:$0x1D580] =	vst v63  }
0x2d: {  	s14 =	sshrl.u32 s15, $0x3  }
0x2e: {  	s4 =	sor.u32 s12, s4;
	s15 =	simm.s32 $0x1B580;
	s9 =	sadd.s32 s2, s14  }
0x2f: {  	[tilespmem:s15], [sflag:$0x2] =	stream.linear.gather [hbm4b:s9+s3], $0x400, $0x38;
	[tilespmem:$0x1D580] =	vst v63  }
0x30: {  	s15 =	sshrl.u32 s4, $0x3  }
0x31: {  	s19 =	simm.s32 $0x1B980;
	s4 =	sadd.s32 s2, s15  }
0x32: {  	[tilespmem:s19], [sflag:$0x2] =	stream.linear.gather [hbm4b:s4+s3], $0x400, $0x38;
	[tilespmem:$0x1D580] =	vst v63  }
0x33: {  	_ =	swait.ge [sflag:s6], $0x400  }
0x34: {  	[sflag:s6] =	ssyncset.done $0x0  }
0x35: {  	[sflag:s6] =	ssyncadd.s32 $0xFFFFFC00  }
0x36: {  	_ =	swait.ge [sflag:s6], $0x400  }
0x37: {  	[sflag:s6] =	ssyncset.done $0x0  }
0x38: {  	[sflag:s6] =	ssyncadd.s32 $0xFFFFFC00  }
0x39: {  	_ =	swait.ge [sflag:s6], $0x400  }
0x3a: {  	p0 =	seq.s32 s10, $0x0;
	[sflag:s6] =	ssyncset.done $0x0  }
0x3b: {  	s4 =	simm.s32 @!p0 $0x3;
	[sflag:s6] =	ssyncadd.s32 $0xFFFFFC00  }
0x3c: {  	_ =	swait.ge @!p0 [sflag:s4], $0x400  }
0x3d: {  	[sflag:s4] =	ssyncset.done @!p0 $0x0  }
0x3e: {  	[sflag:s4] =	ssyncadd.s32 @!p0 $0xFFFFFC00  }
0x3f: {  	_ =	swait.ge @!p0 [sflag:s4], $0x400  }
0x40: {  	[sflag:s4] =	ssyncset.done @!p0 $0x0  }
0x41: {  	[sflag:s4] =	ssyncadd.s32 @!p0 $0xFFFFFC00  }
0x42: {  	_ =	swait.ge @!p0 [sflag:s4], $0x400  }
0x43: {  	[sflag:s4] =	ssyncset.done @!p0 $0x0  }
0x44: {  	s24 =	simm.s32 $0x1A990;
	[sflag:s4] =	ssyncadd.s32 @!p0 $0xFFFFFC00  }
0x45: {  	s25 =	simm.s32 $0x1AD90;
	v0 =	vld [tilespmem:s24+$0x0]  }
0x46: {  	s19 =	simm.s32 $0x1A590;
	v1 =	vld [tilespmem:s25+$0x0]  }
0x47: {  	v2 =	vld [tilespmem:s19+$0x0];
	_ =	sdelay $0x2  }
0x48: {  	v3 =	vmul.f32 $3.199996760e+01, v0  }
0x49: {  	v5 =	vmul.f32 $3.199996760e+01, v1  }
0x4a: {  	v7 =	vmul.f32 $3.199996760e+01, v2;
	v0 =	vtrunc.f32 v3  }
0x4b: {  	v1 =	vcvt.f32.s32 v0;
	v0 =	vtrunc.f32 v5  }
0x4c: {  	v2 =	vtrunc.f32 v7;
	v4 =	vcvt.f32.s32 v0  }
0x4d: {  	v2 =	vcvt.f32.s32 v2;
	v0 =	vmul.u32 $0x21, v1  }
0x4e: {  	v6 =	vmul.u32 $0x441, v4  }
0x4f: {  	v0 =	vadd.s32 v2, v0  }
0x50: {  	v0 =	vadd.s32 v6, v0;
	_ =	sdelay $0x1  }
0x51: {  	v8 =	vld [tilespmem:s25+$0xFFFFFFF0];
	v9 =	vadd.s32 $0x462, v0  }
0x52: {  	v10 =	vld [tilespmem:s19+$0xFFFFFFF0];
	v11 =	vadd.s32 $0x463, v0  }
0x53: {  	v6 =	vld [tilespmem:s24+$0xFFFFFFF0]  }
0x54: {  	v12 =	vld.idx.msk [tilespmem:v0+s3+$0x0], $0xffff  }
0x55: {  	v14 =	vld.idx.msk [tilespmem:v0+s21+$0x0], $0xffff  }
0x56: {  	v15 =	vld.idx.msk [tilespmem:v9+s3+$0x0], $0xffff  }
0x57: {  	v8 =	vmul.f32 $3.199996760e+01, v8;
	v16 =	vadd.s32 $0x441, v0;
	v17 =	vld.idx.msk [tilespmem:v11+s3+$0x0], $0xffff  }
0x58: {  	v18 =	vadd.s32 $0x442, v0;
	v19 =	vld.idx.msk [tilespmem:v9+s20+$0x0], $0xffff  }
0x59: {  	v22 =	vtrunc.f32 v8;
	v20 =	vld.idx.msk [tilespmem:v11+s20+$0x0], $0xffff  }
0x5a: {  	v22 =	vcvt.f32.s32 v22;
	v9 =	vld.idx.msk [tilespmem:v9+s21+$0x0], $0xffff  }
0x5b: {  	v11 =	vld.idx.msk [tilespmem:v11+s21+$0x0], $0xffff  }
0x5c: {  	v10 =	vmul.f32 $3.199996760e+01, v10;
	v29 =	vmul.u32 $0x441, v22;
	v23 =	vld.idx.msk [tilespmem:v16+s3+$0x0], $0xffff  }
0x5d: {  	v22 =	vcvt.s32.f32 v22;
	v25 =	vadd.s32 $0x1, v0;
	v6 =	vmul.f32 $3.199996760e+01, v6;
	v26 =	vld.idx.msk [tilespmem:v18+s3+$0x0], $0xffff  }
0x5e: {  	v24 =	vtrunc.f32 v10;
	v40 =	vcvt.s32.f32 v4;
	v28 =	vld.idx.msk [tilespmem:v16+s20+$0x0], $0xffff  }
0x5f: {  	v42 =	vcvt.s32.f32 v2;
	v8 =	vsub.f32 v8, v22;
	v30 =	vld.idx.msk [tilespmem:v18+s20+$0x0], $0xffff;
	v21 =	vtrunc.f32 v6  }
0x60: {  	v24 =	vcvt.f32.s32 v24;
	v5 =	vsub.f32 v5, v40;
	v16 =	vld.idx.msk [tilespmem:v16+s21+$0x0], $0xffff;
	v21 =	vcvt.f32.s32 v21  }
0x61: {  	v7 =	vsub.f32 v7, v42;
	v31 =	vadd.s32 $0x21, v0;
	v39 =	vsub.f32 $1.000000000e+00, v8;
	v18 =	vld.idx.msk [tilespmem:v18+s21+$0x0], $0xffff  }
0x62: {  	v54 =	vsub.f32 $1.000000000e+00, v5;
	v32 =	vld.idx.msk [tilespmem:v25+s3+$0x0], $0xffff;
	v27 =	vmul.u32 $0x21, v21;
	v17 =	vsub.f32 v17, v15  }
0x63: {  	v36 =	vld.idx.msk [tilespmem:v25+s20+$0x0], $0xffff;
	v21 =	vcvt.s32.f32 v21;
	v20 =	vsub.f32 v20, v19;
	v26 =	vsub.f32 v26, v23  }
0x64: {  	v25 =	vld.idx.msk [tilespmem:v25+s21+$0x0], $0xffff;
	v11 =	vsub.f32 v11, v9;
	v30 =	vsub.f32 v30, v28;
	v27 =	vadd.s32 v24, v27  }
0x65: {  	v13 =	vld.idx.msk [tilespmem:v0+s20+$0x0], $0xffff;
	v21 =	vsub.f32 v6, v21;
	v27 =	vadd.s32 v29, v27;
	v29 =	vadd.s32 $0x22, v0  }
0x66: {  	v41 =	vld.idx.msk [tilespmem:v31+s3+$0x0], $0xffff;
	v18 =	vsub.f32 v18, v16;
	v24 =	vcvt.s32.f32 v24;
	v6 =	vcvt.s32.f32 v1  }
0x67: {  	v63 =	vld.idx.msk [tilespmem:v31+s20+$0x0], $0xffff;
	v32 =	vsub.f32 v32, v12;
	v17 =	vmul.f32 v17, v7;
	v38 =	vsub.f32 $1.000000000e+00, v21  }
0x68: {  	s24 =	simm.s32 $0x1A5B0;
	v31 =	vld.idx.msk [tilespmem:v31+s21+$0x0], $0xffff;
	v1 =	vsub.f32 v10, v24;
	v10 =	vsub.f32 v3, v6;
	v3 =	vmul.f32 v39, v21  }
0x69: {  	v25 =	vsub.f32 v25, v14;
	v2 =	vmul.f32 v8, v38;
	v8 =	vmul.f32 v8, v21;
	v21 =	vld [tilespmem:s24+$0x0]  }
0x6a: {  	v20 =	vmul.f32 v20, v7;
	v26 =	vmul.f32 v26, v7;
	v22 =	vadd.s32 $0x1, v27;
	v24 =	vld.idx.msk [tilespmem:v29+s3+$0x0], $0xffff  }
0x6b: {  	v36 =	vsub.f32 v36, v13;
	v11 =	vmul.f32 v11, v7;
	v30 =	vmul.f32 v30, v7;
	v53 =	vld.idx.msk [tilespmem:v29+s20+$0x0], $0xffff  }
0x6c: {  	v32 =	vmul.f32 v32, v7;
	v25 =	vmul.f32 v25, v7;
	v33 =	vadd.s32 $0x21, v27;
	v29 =	vld.idx.msk [tilespmem:v29+s21+$0x0], $0xffff  }
0x6d: {  	v36 =	vmul.f32 v36, v7;
	v34 =	vadd.s32 $0x22, v27;
	v23 =	vadd.f32 v26, v23;
	v26 =	vld.idx.msk [tilespmem:v27+s3+$0x0], $0xffff  }
0x6e: {  	v35 =	vadd.s32 $0x441, v27;
	v0 =	vadd.s32 $0x462, v27;
	v14 =	vadd.f32 v25, v14;
	v25 =	vld.idx.msk [tilespmem:v27+s21+$0x0], $0xffff  }
0x6f: {  	v4 =	vadd.s32 $0x463, v27;
	v15 =	vadd.f32 v17, v15;
	v17 =	vadd.f32 v20, v19;
	v44 =	vld.idx.msk [tilespmem:v22+s3+$0x0], $0xffff  }
0x70: {  	v37 =	vadd.s32 $0x442, v27;
	v9 =	vadd.f32 v11, v9;
	v12 =	vadd.f32 v32, v12;
	v45 =	vld.idx.msk [tilespmem:v22+s20+$0x0], $0xffff  }
0x71: {  	v13 =	vadd.f32 v36, v13;
	v6 =	vmul.f32 v39, v38;
	v52 =	vsub.f32 $1.000000000e+00, v10;
	v19 =	vld.idx.msk [tilespmem:v33+s21+$0x0], $0xffff  }
0x72: {  	v43 =	vmul.f32 v5, v10;
	v10 =	vmul.f32 v54, v10;
	v11 =	vld.idx.msk [tilespmem:v34+s21+$0x0], $0xffff;
	v24 =	vsub.f32 v24, v41  }
0x73: {  	v5 =	vmul.f32 v5, v52;
	v38 =	vmul.f32 v54, v52;
	v40 =	vld.idx.msk [tilespmem:v0+s21+$0x0], $0xffff;
	v39 =	vsub.f32 v53, v63  }
0x74: {  	v28 =	vadd.f32 v30, v28;
	v9 =	vmul.f32 v9, v43;
	v58 =	vld.idx.msk [tilespmem:v4+s21+$0x0], $0xffff;
	v20 =	vmul.f32 v24, v7  }
0x75: {  	v22 =	vld.idx.msk [tilespmem:v22+s21+$0x0], $0xffff;
	v12 =	vmul.f32 v38, v12;
	v29 =	vsub.f32 v29, v31;
	v24 =	vmul.f32 v39, v7  }
0x76: {  	v55 =	vld.idx.msk [tilespmem:v33+s3+$0x0], $0xffff;
	v13 =	vmul.f32 v13, v38;
	v14 =	vmul.f32 v14, v38;
	v20 =	vadd.f32 v20, v41  }
0x77: {  	v46 =	vld.idx.msk [tilespmem:v34+s3+$0x0], $0xffff;
	v23 =	vmul.f32 v23, v5;
	v29 =	vmul.f32 v29, v7;
	v24 =	vadd.f32 v24, v63  }
0x78: {  	v38 =	vld.idx.msk [tilespmem:v0+s20+$0x0], $0xffff;
	v11 =	vsub.f32 v11, v19;
	v7 =	vmul.f32 v18, v7;
	v20 =	vmul.f32 v20, v10  }
0x79: {  	v42 =	vsub.f32 v58, v40;
	v18 =	vld.idx.msk [tilespmem:v27+s20+$0x0], $0xffff;
	v27 =	vadd.f32 v29, v31;
	v24 =	vmul.f32 v24, v10  }
0x7a: {  	v39 =	vld.idx.msk [tilespmem:v4+s20+$0x0], $0xffff;
	v11 =	vmul.f32 v11, v1;
	v7 =	vadd.f32 v7, v16;
	v12 =	vadd.f32 v20, v12  }
0x7b: {  	v29 =	vld.idx.msk [tilespmem:v35+s3+$0x0], $0xffff;
	v10 =	vmul.f32 v27, v10;
	v13 =	vadd.f32 v24, v13;
	v24 =	vmul.f32 v28, v5  }
0x7c: {  	v16 =	vld.idx.msk [tilespmem:v37+s3+$0x0], $0xffff;
	v5 =	vmul.f32 v7, v5;
	v7 =	vmul.f32 v15, v43;
	v12 =	vadd.f32 v23, v12  }
0x7d: {  	s26 =	simm.s32 $0x1A9B0;
	v19 =	vadd.f32 v11, v19;
	v15 =	vmul.f32 v17, v43;
	v17 =	vld.idx.msk [tilespmem:v37+s21+$0x0], $0xffff;
	v13 =	vadd.f32 v24, v13  }
0x7e: {  	s19 =	simm.s32 $0x1ADB0;
	v21 =	vmul.f32 $3.199996760e+01, v21;
	v10 =	vadd.f32 v10, v14;
	v24 =	vadd.f32 v7, v12;
	v12 =	vld [tilespmem:s26+$0x0]  }
0x7f: {  	v42 =	vmul.f32 v42, v1;
	v39 =	vsub.f32 v39, v38;
	v7 =	vadd.f32 v15, v13;
	v15 =	vld [tilespmem:s19+$0x0]  }
0x80: {  	v19 =	vmul.f32 v19, v3;
	v14 =	vsub.f32 v44, v26;
	v23 =	vld.idx.msk [tilespmem:v35+s21+$0x0], $0xffff;
	v5 =	vadd.f32 v5, v10  }
0x81: {  	v47 =	vld.idx.msk [tilespmem:v33+s20+$0x0], $0xffff;
	v16 =	vsub.f32 v16, v29;
	v39 =	vmul.f32 v39, v1;
	v10 =	vsub.f32 v45, v18  }
0x82: {  	v48 =	vld.idx.msk [tilespmem:v34+s20+$0x0], $0xffff;
	v14 =	vmul.f32 v14, v1;
	v13 =	vsub.f32 v22, v25;
	v9 =	vadd.f32 v9, v5  }
0x83: {  	v28 =	vld [tilespmem:s26+$0xFFFFFFF0];
	v5 =	vsub.f32 v46, v55;
	v10 =	vmul.f32 v10, v1;
	v30 =	vmul.f32 $3.199996760e+01, v12  }
0x84: {  	v14 =	vadd.f32 v14, v26;
	v13 =	vmul.f32 v13, v1;
	v12 =	vld [tilespmem:s24+$0xFFFFFFF0];
	v26 =	vmul.f32 $3.199996760e+01, v15  }
0x85: {  	v5 =	vmul.f32 v5, v1;
	v31 =	vsub.f32 v17, v23;
	v15 =	vld [tilespmem:s19+$0xFFFFFFF0];
	v17 =	vtrunc.f32 v30  }
0x86: {  	v27 =	vld.idx.msk [tilespmem:v37+s20+$0x0], $0xffff;
	v18 =	vadd.f32 v10, v18;
	v10 =	vtrunc.f32 v26;
	v32 =	vcvt.f32.s32 v17  }
0x87: {  	v20 =	vld.idx.msk [tilespmem:v35+s20+$0x0], $0xffff;
	v25 =	vadd.f32 v13, v25;
	v13 =	vtrunc.f32 v21;
	v33 =	vcvt.f32.s32 v10  }
0x88: {  	v10 =	vmul.f32 $3.199996760e+01, v28;
	v28 =	vcvt.f32.s32 v13;
	v13 =	vmul.u32 $0x21, v32  }
0x89: {  	v34 =	vadd.f32 v5, v55;
	v5 =	vmul.f32 $3.199996760e+01, v12;
	v12 =	vmul.u32 $0x441, v33  }
0x8a: {  	v16 =	vmul.f32 v16, v1;
	v15 =	vmul.f32 $3.199996760e+01, v15;
	v13 =	vadd.s32 v28, v13  }
0x8b: {  	v22 =	vsub.f32 v48, v47;
	v17 =	vtrunc.f32 v10;
	v37 =	vadd.s32 v12, v13  }
0x8c: {  	v27 =	vsub.f32 v27, v20;
	v17 =	vcvt.f32.s32 v17;
	v12 =	vtrunc.f32 v15  }
0x8d: {  	v56 =	vld.idx.msk [tilespmem:v4+s3+$0x0], $0xffff;
	v16 =	vadd.f32 v16, v29;
	v13 =	vtrunc.f32 v5;
	v11 =	vcvt.f32.s32 v12  }
0x8e: {  	v35 =	vld.idx.msk [tilespmem:v0+s3+$0x0], $0xffff;
	v22 =	vmul.f32 v22, v1;
	v12 =	vcvt.f32.s32 v13;
	v57 =	vadd.s32 $0x462, v37  }
0x8f: {  	v13 =	vmul.u32 $0x21, v17;
	v59 =	vadd.s32 $0x463, v37;
	v4 =	vcvt.s32.f32 v11  }
0x90: {  	v14 =	vmul.f32 v6, v14;
	v0 =	vcvt.s32.f32 v17;
	v17 =	vmul.u32 $0x441, v11;
	v11 =	vld.idx.msk [tilespmem:v37+s3+$0x0], $0xffff  }
0x91: {  	v60 =	vcvt.s32.f32 v12;
	v12 =	vadd.s32 v12, v13;
	v62 =	vsub.f32 v15, v4;
	v15 =	vld.idx.msk [tilespmem:v37+s20+$0x0], $0xffff  }
0x92: {  	v27 =	vmul.f32 v27, v1;
	v61 =	vsub.f32 v10, v0;
	v10 =	vadd.s32 v17, v12;
	v17 =	vld.idx.msk [tilespmem:v37+s21+$0x0], $0xffff  }
0x93: {  	v36 =	vsub.f32 v56, v35;
	v22 =	vadd.f32 v22, v47;
	v18 =	vmul.f32 v18, v6;
	v50 =	vld.idx.msk [tilespmem:v57+s3+$0x0], $0xffff  }
0x94: {  	v31 =	vmul.f32 v31, v1;
	v20 =	vadd.f32 v27, v20;
	v51 =	vadd.s32 $0x441, v37;
	v52 =	vld.idx.msk [tilespmem:v59+s3+$0x0], $0xffff  }
0x95: {  	v36 =	vmul.f32 v36, v1;
	v34 =	vmul.f32 v34, v3;
	v53 =	vadd.s32 $0x442, v37;
	v54 =	vld.idx.msk [tilespmem:v57+s20+$0x0], $0xffff  }
0x96: {  	v6 =	vmul.f32 v25, v6;
	v22 =	vmul.f32 v22, v3;
	v23 =	vadd.f32 v31, v23;
	v29 =	vld.idx.msk [tilespmem:v59+s20+$0x0], $0xffff  }
0x97: {  	v16 =	vmul.f32 v16, v2;
	v35 =	vadd.f32 v36, v35;
	v14 =	vadd.f32 v34, v14;
	v41 =	vld.idx.msk [tilespmem:v57+s21+$0x0], $0xffff  }
0x98: {  	v20 =	vmul.f32 v20, v2;
	v18 =	vadd.f32 v22, v18;
	v6 =	vadd.f32 v19, v6;
	v43 =	vld.idx.msk [tilespmem:v59+s21+$0x0], $0xffff  }
0x99: {  	v2 =	vmul.f32 v23, v2;
	v23 =	vadd.f32 v39, v38;
	v31 =	vadd.s32 $0x1, v37;
	v27 =	vld.idx.msk [tilespmem:v51+s3+$0x0], $0xffff  }
0x9a: {  	s25 =	simm.s32 $0x1BD90;
	v14 =	vadd.f32 v16, v14;
	v16 =	vadd.f32 v42, v40;
	v55 =	vld.idx.msk [tilespmem:v53+s3+$0x0], $0xffff  }
0x9b: {  	s4 =	simm.s32 $0x1C190;
	[tilespmem:s25+$0x0] =	vst v24;
	v18 =	vadd.f32 v20, v18;
	v20 =	vmul.f32 v35, v8;
	v58 =	vcvt.s32.f32 v33;
	v34 =	vld.idx.msk [tilespmem:v51+s20+$0x0], $0xffff  }
0x9c: {  	s9 =	simm.s32 $0x1C590;
	[tilespmem:s4+$0x0] =	vst v7;
	v7 =	vadd.f32 v2, v6;
	v2 =	vcvt.s32.f32 v32;
	v19 =	vadd.s32 $0x21, v37;
	v22 =	vld.idx.msk [tilespmem:v53+s20+$0x0], $0xffff  }
0x9d: {  	[tilespmem:s9+$0x0] =	vst v9;
	v9 =	vcvt.s32.f32 v28;
	v26 =	vsub.f32 v26, v58;
	v24 =	vadd.s32 $0x22, v37;
	v51 =	vld.idx.msk [tilespmem:v51+s21+$0x0], $0xffff  }
0x9e: {  	v14 =	vadd.f32 v20, v14;
	v20 =	vmul.f32 v23, v8;
	v23 =	vsub.f32 v30, v2;
	v56 =	vld.idx.msk [tilespmem:v31+s3+$0x0], $0xffff  }
0x9f: {  	v8 =	vmul.f32 v16, v8;
	v16 =	vsub.f32 $1.000000000e+00, v26;
	v57 =	vld.idx.msk [tilespmem:v31+s20+$0x0], $0xffff  }
0xa0: {  	v21 =	vsub.f32 v21, v9;
	[tilespmem:s25+$0xFFFFFFF0] =	vst v14;
	v14 =	vsub.f32 $1.000000000e+00, v23;
	v31 =	vld.idx.msk [tilespmem:v31+s21+$0x0], $0xffff  }
0xa1: {  	v9 =	vadd.f32 v20, v18;
	v33 =	vmul.f32 v26, v23;
	v23 =	vmul.f32 v16, v23;
	v28 =	vld.idx.msk [tilespmem:v19+s3+$0x0], $0xffff  }
0xa2: {  	v63 =	vsub.f32 $1.000000000e+00, v61;
	v38 =	vmul.f32 v26, v14;
	v0 =	vsub.f32 v5, v60;
	v30 =	vld.idx.msk [tilespmem:v24+s3+$0x0], $0xffff  }
0xa3: {  	v47 =	vadd.s32 $0x1, v10;
	v48 =	vadd.s32 $0x21, v10;
	v49 =	vadd.s32 $0x22, v10;
	v59 =	vld.idx.msk [tilespmem:v19+s20+$0x0], $0xffff  }
0xa4: {  	v13 =	vadd.s32 $0x441, v10;
	v12 =	vadd.s32 $0x442, v10;
	v18 =	vld.idx.msk [tilespmem:v24+s20+$0x0], $0xffff;
	v25 =	vsub.f32 $1.000000000e+00, v62  }
0xa5: {  	v4 =	vadd.s32 $0x462, v10;
	v5 =	vadd.s32 $0x463, v10;
	v60 =	vld.idx.msk [tilespmem:v19+s21+$0x0], $0xffff;
	v2 =	vmul.f32 v62, v61  }
0xa6: {  	v26 =	vld.idx.msk [tilespmem:v24+s21+$0x0], $0xffff;
	v1 =	vmul.f32 v25, v63;
	v19 =	vsub.f32 v52, v50;
	v29 =	vsub.f32 v29, v54  }
0xa7: {  	v3 =	vmul.f32 v25, v61;
	v25 =	vld.idx.msk [tilespmem:v53+s21+$0x0], $0xffff;
	v24 =	vsub.f32 v55, v27;
	v61 =	vsub.f32 v43, v41  }
0xa8: {  	v6 =	vmul.f32 v62, v63;
	v40 =	vld.idx.msk [tilespmem:v47+s3+$0x0], $0xffff;
	v22 =	vsub.f32 v22, v34;
	v36 =	vsub.f32 v56, v11  }
0xa9: {  	v62 =	vmul.f32 v16, v14;
	v43 =	vld.idx.msk [tilespmem:v47+s20+$0x0], $0xffff;
	v37 =	vsub.f32 v57, v15;
	v31 =	vsub.f32 v31, v17  }
0xaa: {  	v20 =	vld.idx.msk [tilespmem:v47+s21+$0x0], $0xffff;
	v30 =	vsub.f32 v30, v28;
	v19 =	vmul.f32 v19, v21;
	v29 =	vmul.f32 v29, v21  }
0xab: {  	v14 =	vld.idx.msk [tilespmem:v48+s3+$0x0], $0xffff;
	v52 =	vsub.f32 v18, v59;
	v63 =	vmul.f32 v24, v21;
	v39 =	vmul.f32 v61, v21  }
0xac: {  	v16 =	vld.idx.msk [tilespmem:v48+s20+$0x0], $0xffff;
	v56 =	vsub.f32 v26, v60;
	v22 =	vmul.f32 v22, v21;
	v55 =	vmul.f32 v37, v21  }
0xad: {  	v26 =	vld.idx.msk [tilespmem:v49+s20+$0x0], $0xffff;
	v31 =	vmul.f32 v31, v21;
	v25 =	vsub.f32 v25, v51;
	v57 =	vadd.f32 v19, v50  }
0xae: {  	v18 =	vld.idx.msk [tilespmem:v48+s21+$0x0], $0xffff;
	v29 =	vadd.f32 v29, v54;
	v19 =	vmul.f32 v30, v21;
	v30 =	vadd.f32 v63, v27  }
0xaf: {  	v24 =	vld.idx.msk [tilespmem:v49+s3+$0x0], $0xffff;
	v34 =	vadd.f32 v22, v34;
	v53 =	vmul.f32 v25, v21;
	v25 =	vmul.f32 v36, v21  }
0xb0: {  	v58 =	vmul.f32 v52, v21;
	v27 =	vld.idx.msk [tilespmem:v49+s21+$0x0], $0xffff;
	v15 =	vadd.f32 v55, v15;
	v17 =	vadd.f32 v31, v17  }
0xb1: {  	v22 =	vadd.f32 v19, v28;
	v28 =	vmul.f32 v56, v21;
	v21 =	vld.idx.msk [tilespmem:v10+s20+$0x0], $0xffff;
	v11 =	vadd.f32 v25, v11  }
0xb2: {  	v31 =	vadd.f32 v58, v59;
	v30 =	vmul.f32 v30, v38;
	v19 =	vld.idx.msk [tilespmem:v10+s21+$0x0], $0xffff;
	v15 =	vmul.f32 v15, v62  }
0xb3: {  	v25 =	vld.idx.msk [tilespmem:v10+s3+$0x0], $0xffff;
	v59 =	vmul.f32 v22, v23;
	v28 =	vadd.f32 v28, v60;
	v11 =	vmul.f32 v62, v11  }
0xb4: {  	v39 =	vadd.f32 v39, v41;
	v31 =	vmul.f32 v31, v23;
	v17 =	vmul.f32 v17, v62;
	v10 =	vld.idx.msk [tilespmem:v13+s3+$0x0], $0xffff  }
0xb5: {  	v60 =	vadd.f32 v53, v51;
	v22 =	vld.idx.msk [tilespmem:v12+s3+$0x0], $0xffff;
	v28 =	vmul.f32 v28, v23;
	v32 =	vadd.f32 v59, v11  }
0xb6: {  	v61 =	vmul.f32 v57, v33;
	v15 =	vadd.f32 v31, v15;
	v31 =	vmul.f32 v34, v38;
	v23 =	vld.idx.msk [tilespmem:v12+s20+$0x0], $0xffff  }
0xb7: {  	v11 =	vld.idx.msk [tilespmem:v13+s20+$0x0], $0xffff;
	v28 =	vadd.f32 v28, v17;
	v32 =	vadd.f32 v30, v32;
	v30 =	vmul.f32 v60, v38  }
0xb8: {  	v63 =	vmul.f32 v29, v33;
	v15 =	vadd.f32 v31, v15;
	v13 =	vld.idx.msk [tilespmem:v13+s21+$0x0], $0xffff;
	v62 =	vsub.f32 v40, v25  }
0xb9: {  	s29 =	simm.s32 $0x20;
	s30 =	simm.s32 $0x1A9D0;
	v17 =	vld.idx.msk [tilespmem:v12+s21+$0x0], $0xffff;
	v30 =	vadd.f32 v30, v28;
	v28 =	vadd.f32 v61, v32;
	v32 =	vmul.f32 v39, v33  }
0xba: {  	s28 =	simm.s32 $0x1C190;
	s26 =	simm.s32 $0x1C590;
	s25 =	simm.s32 $0x1BDB0;
	v31 =	vsub.f32 v43, v21;
	v12 =	vld.idx.msk [tilespmem:v4+s3+$0x0], $0xffff;
	v15 =	vadd.f32 v63, v15;
	v29 =	vmul.f32 v62, v0  }
.LBB2_3:
0xbb: {  	v33 =	vld [tilespmem:s30+$0x0];
	v20 =	vsub.f32 v20, v19;
	v30 =	vadd.f32 v32, v30;
	[tilespmem:s25+$0x0] =	vst v28;
	s19 =	sadd.s32 $0x20, s19;
	s4 =	sadd.s32 $0x20, s4  }
0xbc: {  	v24 =	vsub.f32 v24, v14;
	v26 =	vsub.f32 v26, v16;
	s24 =	sadd.s32 $0x20, s24;
	s9 =	sadd.s32 $0x20, s9;
	v28 =	vld [tilespmem:s19+$0x0];
	v31 =	vmul.f32 v31, v0;
	[tilespmem:s4+$0x0] =	vst v15  }
0xbd: {  	v27 =	vsub.f32 v27, v18;
	v22 =	vsub.f32 v22, v10;
	v15 =	vld [tilespmem:s24+$0x0];
	v20 =	vmul.f32 v20, v0;
	[tilespmem:s9+$0x0] =	vst v30  }
0xbe: {  	v32 =	vsub.f32 v23, v11;
	v24 =	vmul.f32 v24, v0;
	v26 =	vmul.f32 v26, v0;
	v30 =	vld [tilespmem:s30+$0xFFFFFFF0];
	[tilespmem:s28+$0xFFFFFFF0] =	vst v9;
	s28 =	smov.u32 s4  }
0xbf: {  	v29 =	vadd.f32 v29, v25;
	v25 =	vmul.f32 v27, v0;
	v34 =	vsub.f32 v17, v13;
	v23 =	vld [tilespmem:s19+$0xFFFFFFF0]  }
0xc0: {  	v31 =	vadd.f32 v31, v21;
	v17 =	vld [tilespmem:s24+$0xFFFFFFF0];
	v9 =	vmul.f32 $3.199996760e+01, v33;
	v33 =	vadd.f32 v20, v19  }
0xc1: {  	v35 =	vadd.f32 v24, v14;
	v36 =	vadd.f32 v26, v16;
	v20 =	vmul.f32 $3.199996760e+01, v28;
	v19 =	vld.idx.msk [tilespmem:v5+s3+$0x0], $0xffff  }
0xc2: {  	v37 =	vadd.f32 v25, v18;
	v14 =	vmul.f32 $3.199996760e+01, v15;
	v15 =	vtrunc.f32 v9;
	v38 =	vld.idx.msk [tilespmem:v4+s20+$0x0], $0xffff  }
0xc3: {  	v7 =	vadd.f32 v8, v7;
	v16 =	vcvt.f32.s32 v15;
	v15 =	vtrunc.f32 v20;
	v39 =	vld.idx.msk [tilespmem:v5+s20+$0x0], $0xffff  }
0xc4: {  	v8 =	vtrunc.f32 v14;
	v26 =	vcvt.f32.s32 v15;
	v40 =	vld.idx.msk [tilespmem:v4+s21+$0x0], $0xffff  }
0xc5: {  	v4 =	vmul.f32 $3.199996760e+01, v30;
	v8 =	vcvt.f32.s32 v8;
	v15 =	vmul.u32 $0x21, v16;
	v30 =	vld.idx.msk [tilespmem:v5+s21+$0x0], $0xffff;
	[tilespmem:s26+$0xFFFFFFF0] =	vst v7;
	s26 =	smov.u32 s9  }
0xc6: {  	v5 =	vmul.f32 $3.199996760e+01, v17;
	v7 =	vmul.f32 $3.199996760e+01, v23;
	v17 =	vmul.u32 $0x441, v26  }
0xc7: {  	v41 =	vmul.f32 v22, v0;
	v18 =	vtrunc.f32 v4;
	v15 =	vadd.s32 v8, v15  }
0xc8: {  	v18 =	vcvt.f32.s32 v18;
	v21 =	vtrunc.f32 v7;
	v42 =	vadd.s32 v17, v15  }
0xc9: {  	v43 =	vsub.f32 v19, v12;
	v15 =	vtrunc.f32 v5;
	v17 =	vcvt.f32.s32 v21  }
0xca: {  	v15 =	vcvt.f32.s32 v15;
	v19 =	vcvt.s32.f32 v18;
	v18 =	vmul.u32 $0x21, v18  }
0xcb: {  	v44 =	vadd.s32 $0x462, v42;
	v21 =	vcvt.s32.f32 v17;
	v17 =	vmul.u32 $0x441, v17  }
0xcc: {  	v45 =	vadd.s32 $0x463, v42;
	v27 =	vcvt.s32.f32 v15;
	v15 =	vadd.s32 v15, v18  }
0xcd: {  	v46 =	vsub.f32 v4, v19;
	v7 =	vsub.f32 v7, v21;
	v19 =	vadd.s32 v17, v15;
	v21 =	vld.idx.msk [tilespmem:v42+s3+$0x0], $0xffff  }
0xce: {  	v24 =	vadd.s32 $0x1, v19;
	v18 =	vadd.s32 $0x21, v19;
	v25 =	vadd.s32 $0x22, v19;
	v22 =	vld.idx.msk [tilespmem:v42+s20+$0x0], $0xffff  }
0xcf: {  	v17 =	vadd.s32 $0x441, v19;
	v15 =	vadd.s32 $0x442, v19;
	v4 =	vadd.s32 $0x462, v19;
	v23 =	vld.idx.msk [tilespmem:v42+s21+$0x0], $0xffff  }
0xd0: {  	v47 =	vsub.f32 v5, v27;
	v48 =	vsub.f32 $1.000000000e+00, v46;
	v5 =	vadd.s32 $0x463, v19;
	v27 =	vld.idx.msk [tilespmem:v44+s3+$0x0], $0xffff  }
0xd1: {  	v32 =	vmul.f32 v32, v0;
	v50 =	vadd.s32 $0x441, v42;
	v49 =	vsub.f32 $1.000000000e+00, v7;
	v51 =	vld.idx.msk [tilespmem:v45+s3+$0x0], $0xffff  }
0xd2: {  	v34 =	vmul.f32 v34, v0;
	v39 =	vsub.f32 v39, v38;
	v52 =	vadd.s32 $0x442, v42;
	v28 =	vld.idx.msk [tilespmem:v44+s20+$0x0], $0xffff  }
0xd3: {  	s29 =	sadd.s32 $0x20, s29;
	v30 =	vsub.f32 v30, v40;
	v53 =	vmul.f32 v49, v48;
	v49 =	vmul.f32 v49, v46;
	v54 =	vld.idx.msk [tilespmem:v45+s20+$0x0], $0xffff  }
0xd4: {  	p1 =	slt.u32 s29, $0x3E0;
	v29 =	vmul.f32 v1, v29;
	v10 =	vadd.f32 v41, v10;
	v31 =	vmul.f32 v31, v1;
	v44 =	vld.idx.msk [tilespmem:v44+s21+$0x0], $0xffff  }
0xd5: {  	v11 =	vadd.f32 v32, v11;
	v35 =	vmul.f32 v35, v3;
	v33 =	vmul.f32 v33, v1;
	v41 =	vld.idx.msk [tilespmem:v45+s21+$0x0], $0xffff  }
0xd6: {  	v36 =	vmul.f32 v36, v3;
	v3 =	vmul.f32 v37, v3;
	v13 =	vadd.f32 v34, v13;
	v32 =	vld.idx.msk [tilespmem:v50+s3+$0x0], $0xffff  }
0xd7: {  	v43 =	vmul.f32 v43, v0;
	v34 =	vadd.s32 $0x1, v42;
	v39 =	vmul.f32 v39, v0;
	v1 =	vmovc v53;
	v37 =	vld.idx.msk [tilespmem:v52+s3+$0x0], $0xffff  }
0xd8: {  	v29 =	vadd.f32 v35, v29;
	v30 =	vmul.f32 v30, v0;
	v45 =	vmul.f32 v7, v48;
	v48 =	vld.idx.msk [tilespmem:v50+s20+$0x0], $0xffff  }
0xd9: {  	v10 =	vmul.f32 v10, v6;
	v31 =	vadd.f32 v36, v31;
	v33 =	vadd.f32 v3, v33;
	v35 =	vld.idx.msk [tilespmem:v52+s20+$0x0], $0xffff  }
0xda: {  	v11 =	vmul.f32 v11, v6;
	v6 =	vmul.f32 v13, v6;
	v36 =	vadd.s32 $0x21, v42;
	v0 =	vmovc v47;
	v50 =	vld.idx.msk [tilespmem:v50+s21+$0x0], $0xffff  }
0xdb: {  	v13 =	vadd.s32 $0x22, v42;
	v12 =	vadd.f32 v43, v12;
	v38 =	vadd.f32 v39, v38;
	v3 =	vmovc v49;
	v42 =	vld.idx.msk [tilespmem:v52+s21+$0x0], $0xffff  }
0xdc: {  	v10 =	vadd.f32 v10, v29;
	v39 =	vmul.f32 v7, v46;
	v29 =	vadd.f32 v30, v40;
	v43 =	vld.idx.msk [tilespmem:v34+s3+$0x0], $0xffff  }
0xdd: {  	v11 =	vadd.f32 v11, v31;
	v12 =	vmul.f32 v12, v2;
	v7 =	vadd.f32 v6, v33;
	v30 =	vld.idx.msk [tilespmem:v34+s20+$0x0], $0xffff  }
0xde: {  	v16 =	vcvt.s32.f32 v16;
	v26 =	vcvt.s32.f32 v26;
	v6 =	vmov v45;
	v31 =	vld.idx.msk [tilespmem:v34+s21+$0x0], $0xffff  }
0xdf: {  	v10 =	vadd.f32 v12, v10;
	v12 =	vmul.f32 v38, v2;
	v33 =	vcvt.s32.f32 v8;
	v34 =	vld.idx.msk [tilespmem:v36+s3+$0x0], $0xffff  }
0xe0: {  	v16 =	vsub.f32 v9, v16;
	v20 =	vsub.f32 v20, v26;
	v8 =	vmul.f32 v29, v2;
	v26 =	vld.idx.msk [tilespmem:v13+s3+$0x0], $0xffff  }
0xe1: {  	v9 =	vadd.f32 v12, v11;
	v2 =	vmov v39;
	v29 =	vsub.f32 v14, v33;
	v33 =	vld.idx.msk [tilespmem:v36+s20+$0x0], $0xffff;
	[tilespmem:s25+$0xFFFFFFF0] =	vst v10  }
0xe2: {  	v11 =	vsub.f32 $1.000000000e+00, v20;
	v10 =	vsub.f32 $1.000000000e+00, v16;
	v12 =	vld.idx.msk [tilespmem:v13+s20+$0x0], $0xffff  }
0xe3: {  	v38 =	vmul.f32 v20, v16;
	v14 =	vsub.f32 v51, v27;
	v39 =	vsub.f32 v54, v28;
	v36 =	vld.idx.msk [tilespmem:v36+s21+$0x0], $0xffff  }
0xe4: {  	v41 =	vsub.f32 v41, v44;
	v37 =	vsub.f32 v37, v32;
	v40 =	vmul.f32 v20, v10;
	v13 =	vld.idx.msk [tilespmem:v13+s21+$0x0], $0xffff  }
0xe5: {  	v46 =	vmul.f32 v11, v10;
	v10 =	vsub.f32 v35, v48;
	v35 =	vsub.f32 v42, v50;
	v45 =	vld.idx.msk [tilespmem:v24+s3+$0x0], $0xffff  }
0xe6: {  	v43 =	vsub.f32 v43, v21;
	v30 =	vsub.f32 v30, v22;
	v11 =	vmul.f32 v11, v16;
	v42 =	vld.idx.msk [tilespmem:v24+s20+$0x0], $0xffff  }
0xe7: {  	v47 =	vmul.f32 v14, v29;
	v39 =	vmul.f32 v39, v29;
	v31 =	vsub.f32 v31, v23;
	v20 =	vld.idx.msk [tilespmem:v24+s21+$0x0], $0xffff  }
0xe8: {  	v41 =	vmul.f32 v41, v29;
	v37 =	vmul.f32 v37, v29;
	v49 =	vsub.f32 v26, v34;
	v14 =	vld.idx.msk [tilespmem:v18+s3+$0x0], $0xffff  }
0xe9: {  	v10 =	vmul.f32 v10, v29;
	v35 =	vmul.f32 v35, v29;
	v12 =	vsub.f32 v12, v33;
	v24 =	vld.idx.msk [tilespmem:v25+s3+$0x0], $0xffff  }
0xea: {  	v43 =	vmul.f32 v43, v29;
	v30 =	vmul.f32 v30, v29;
	v13 =	vsub.f32 v13, v36;
	v16 =	vld.idx.msk [tilespmem:v18+s20+$0x0], $0xffff  }
0xeb: {  	v47 =	vadd.f32 v47, v27;
	v28 =	vadd.f32 v39, v28;
	v31 =	vmul.f32 v31, v29;
	v26 =	vld.idx.msk [tilespmem:v25+s20+$0x0], $0xffff  }
0xec: {  	v32 =	vadd.f32 v37, v32;
	v37 =	vadd.f32 v41, v44;
	v39 =	vmul.f32 v49, v29;
	v18 =	vld.idx.msk [tilespmem:v18+s21+$0x0], $0xffff  }
0xed: {  	v41 =	vadd.f32 v43, v21;
	v43 =	vadd.f32 v10, v48;
	v12 =	vmul.f32 v12, v29;
	v27 =	vld.idx.msk [tilespmem:v25+s21+$0x0], $0xffff  }
0xee: {  	v22 =	vadd.f32 v30, v22;
	v10 =	vadd.f32 v39, v34;
	v13 =	vmul.f32 v13, v29;
	v25 =	vld.idx.msk [tilespmem:v19+s3+$0x0], $0xffff  }
0xef: {  	v23 =	vadd.f32 v31, v23;
	v12 =	vadd.f32 v12, v33;
	v29 =	vmul.f32 v32, v40;
	v21 =	vld.idx.msk [tilespmem:v19+s20+$0x0], $0xffff  }
0xf0: {  	v30 =	vmul.f32 v46, v41;
	v31 =	vmul.f32 v10, v11;
	v13 =	vadd.f32 v13, v36;
	v19 =	vld.idx.msk [tilespmem:v19+s21+$0x0], $0xffff  }
0xf1: {  	v32 =	vmul.f32 v22, v46;
	v33 =	vadd.f32 v35, v50;
	v12 =	vmul.f32 v12, v11;
	v10 =	vld.idx.msk [tilespmem:v17+s3+$0x0], $0xffff  }
0xf2: {  	v34 =	vmul.f32 v23, v46;
	v30 =	vadd.f32 v31, v30;
	v13 =	vmul.f32 v13, v11;
	v22 =	vld.idx.msk [tilespmem:v15+s3+$0x0], $0xffff  }
.Ltmp0:
0xf3: {  	v31 =	vmul.f32 v43, v40;
	v12 =	vadd.f32 v12, v32;
	v32 =	vmul.f32 v47, v38;
	v11 =	vld.idx.msk [tilespmem:v17+s20+$0x0], $0xffff;
	(pc) =	sbr.rel @p1 .LBB2_3-.Ltmp0, $4  }
0xf4: {  	v29 =	vadd.f32 v29, v30;
	v30 =	vmul.f32 v33, v40;
	v34 =	vadd.f32 v13, v34;
	v23 =	vld.idx.msk [tilespmem:v15+s20+$0x0], $0xffff  }
0xf5: {  	v36 =	vmul.f32 v28, v38;
	v35 =	vadd.f32 v31, v12;
	v33 =	vsub.f32 v45, v25;
	v13 =	vld.idx.msk [tilespmem:v17+s21+$0x0], $0xffff  }
0xf6: {  	v28 =	vadd.f32 v32, v29;
	v32 =	vmul.f32 v37, v38;
	v30 =	vadd.f32 v30, v34;
	v17 =	vld.idx.msk [tilespmem:v15+s21+$0x0], $0xffff  }
0xf7: {  	s30 =	sadd.s32 $0x20, s30;
	s25 =	sadd.s32 $0x20, s25;
	v31 =	vsub.f32 v42, v21;
	v29 =	vmul.f32 v33, v0;
	v15 =	vadd.f32 v36, v35;
	v12 =	vld.idx.msk [tilespmem:v4+s3+$0x0], $0xffff  }
0xf8: {  	_ =	sdelay $0x3  }
0xf9: {  	v20 =	vsub.f32 v20, v19;
	v33 =	vld.idx.msk [tilespmem:v5+s3+$0x0], $0xffff;
	v30 =	vadd.f32 v32, v30  }
0xfa: {  	v24 =	vsub.f32 v24, v14;
	v59 =	vld.idx.msk [tilespmem:v4+s20+$0x0], $0xffff;
	v26 =	vsub.f32 v26, v16  }
0xfb: {  	v27 =	vsub.f32 v27, v18;
	v34 =	vld.idx.msk [tilespmem:v5+s20+$0x0], $0xffff;
	v22 =	vsub.f32 v22, v10  }
0xfc: {  	v4 =	vld.idx.msk [tilespmem:v4+s21+$0x0], $0xffff;
	v31 =	vmul.f32 v31, v0;
	v23 =	vsub.f32 v23, v11;
	v20 =	vmul.f32 v20, v0  }
0xfd: {  	v5 =	vld.idx.msk [tilespmem:v5+s21+$0x0], $0xffff;
	v25 =	vadd.f32 v29, v25;
	v24 =	vmul.f32 v24, v0;
	v26 =	vmul.f32 v26, v0  }
0xfe: {  	v27 =	vmul.f32 v27, v0;
	v17 =	vsub.f32 v17, v13;
	v21 =	vadd.f32 v31, v21  }
0xff: {  	v23 =	vmul.f32 v23, v0;
	v19 =	vadd.f32 v20, v19;
	v14 =	vadd.f32 v24, v14  }
0x100: {  	v25 =	vmul.f32 v1, v25;
	v16 =	vadd.f32 v26, v16;
	v18 =	vadd.f32 v27, v18  }
0x101: {  	v20 =	vmul.f32 v22, v0;
	v22 =	vsub.f32 v33, v12;
	v17 =	vmul.f32 v17, v0  }
0x102: {  	v24 =	vsub.f32 v34, v59;
	v5 =	vsub.f32 v5, v4;
	v21 =	vmul.f32 v21, v1  }
0x103: {  	v11 =	vadd.f32 v23, v11;
	v1 =	vmul.f32 v19, v1;
	v14 =	vmul.f32 v14, v3  }
0x104: {  	v10 =	vadd.f32 v20, v10;
	v16 =	vmul.f32 v16, v3;
	v3 =	vmul.f32 v18, v3  }
0x105: {  	v13 =	vadd.f32 v17, v13;
	v17 =	vmul.f32 v22, v0;
	v18 =	vmul.f32 v24, v0  }
0x106: {  	v0 =	vmul.f32 v5, v0;
	v11 =	vmul.f32 v11, v6;
	v14 =	vadd.f32 v14, v25  }
0x107: {  	v1 =	vadd.f32 v3, v1;
	v3 =	vmul.f32 v10, v6;
	v10 =	vadd.f32 v17, v12  }
0x108: {  	[tilespmem:s25+$0x0] =	vst v28;
	v5 =	vadd.f32 v16, v21;
	v6 =	vmul.f32 v13, v6;
	v12 =	vadd.f32 v18, v59  }
0x109: {  	s4 =	sadd.s32 $0x20, s4;
	[tilespmem:s28+$0xFFFFFFF0] =	vst v9;
	v0 =	vadd.f32 v0, v4;
	v3 =	vadd.f32 v3, v14;
	v4 =	vmul.f32 v10, v2  }
0x10a: {  	s9 =	sadd.s32 $0x20, s9;
	v7 =	vadd.f32 v8, v7;
	[tilespmem:s4+$0x0] =	vst v15;
	v5 =	vadd.f32 v11, v5;
	v8 =	vmul.f32 v12, v2  }
0x10b: {  	[tilespmem:s9+$0x0] =	vst v30;
	v1 =	vadd.f32 v6, v1;
	v0 =	vmul.f32 v0, v2;
	v3 =	vadd.f32 v4, v3  }
0x10c: {  	s19 =	sor.u32 s8, s18;
	[tilespmem:s26+$0xFFFFFFF0] =	vst v7;
	v2 =	vadd.f32 v8, v5  }
0x10d: {  	s24 =	sor.u32 s7, s19;
	v0 =	vadd.f32 v0, v1;
	[tilespmem:s25+$0xFFFFFFF0] =	vst v3  }
0x10e: {  	s24 =	sshrl.u32 s24, $0x3;
	[tilespmem:s4+$0xFFFFFFF0] =	vst v2  }
0x10f: {  	s26 =	sor.u32 s11, s19;
	s25 =	simm.s32 $0x1BD80;
	s4 =	sadd.s32 s5, s24;
	[tilespmem:s9+$0xFFFFFFF0] =	vst v0  }
0x110: {  	[hbm4b:s4+s3] =	stream.linear.scatter [tilespmem:s25], [sflag:$0x3], $0x400, $0x38;
	[tilespmem:$0x1D580] =	vst v63  }
0x111: {  	s4 =	sshrl.u32 s26, $0x3  }
0x112: {  	s30 =	simm.s32 $0x1C180;
	s9 =	sor.u32 s12, s19;
	s4 =	sadd.s32 s5, s4  }
0x113: {  	[hbm4b:s4+s3] =	stream.linear.scatter [tilespmem:s30], [sflag:$0x3], $0x400, $0x38;
	[tilespmem:$0x1D580] =	vst v63  }
0x114: {  	s4 =	sshrl.u32 s9, $0x3  }
0x115: {  	p1 =	seq.s32 s10, $0x3F;
	s4 =	sadd.s32 s5, s4  }
0x116: {  	[hbm4b:s4+s3] =	stream.linear.scatter [tilespmem:s31], [sflag:$0x3], $0x400, $0x38;
	[tilespmem:$0x1D580] =	vst v63  }
0x117: {  	s4 =	sadd.s32 @!p1 s18, s17  }
0x118: {  	s9 =	sadd.s32 @!p1 s7, s4  }
0x119: {  	s9 =	sshrl.u32 @!p1 s9, $0x3  }
0x11a: {  	s19 =	simm.s32 @!p1 $0x1A580;
	s18 =	simm.s32 @!p1 $0x0;
	s9 =	sadd.s32 @!p1 s2, s9  }
0x11b: {  	[tilespmem:s19], [sflag:$0x1] =	stream.linear.gather @!p1 [hbm4b:s9+s18], $0x400, $0x38;
	[tilespmem:$0x1D580] =	vst v63  }
0x11c: {  	s9 =	sadd.s32 @!p1 s11, s4  }
0x11d: {  	s4 =	sadd.s32 @!p1 s12, s4;
	s9 =	sshrl.u32 @!p1 s9, $0x3  }
0x11e: {  	s19 =	simm.s32 @!p1 $0x1A980;
	s4 =	sshrl.u32 @!p1 s4, $0x3;
	s9 =	sadd.s32 @!p1 s2, s9  }
0x11f: {  	[tilespmem:s19], [sflag:$0x1] =	stream.linear.gather @!p1 [hbm4b:s9+s18], $0x400, $0x38;
	[tilespmem:$0x1D580] =	vst v63  }
0x120: {  	s4 =	sadd.s32 @!p1 s2, s4;
	s9 =	simm.s32 @!p1 $0x1AD80  }
0x121: {  	[tilespmem:s9], [sflag:$0x1] =	stream.linear.gather @!p1 [hbm4b:s4+s18], $0x400, $0x38;
	[tilespmem:$0x1D580] =	vst v63  }
0x122: {  	_ =	swait.ge [sflag:s0], $0x400  }
0x123: {  	[sflag:s0] =	ssyncset.done $0x0  }
0x124: {  	[sflag:s0] =	ssyncadd.s32 $0xFFFFFC00  }
0x125: {  	_ =	swait.ge [sflag:s0], $0x400  }
0x126: {  	[sflag:s0] =	ssyncset.done $0x0  }
0x127: {  	[sflag:s0] =	ssyncadd.s32 $0xFFFFFC00  }
0x128: {  	_ =	swait.ge [sflag:s0], $0x400  }
0x129: {  	[sflag:s0] =	ssyncset.done $0x0  }
0x12a: {  	s4 =	simm.s32 @!p0 $0x4;
	[sflag:s0] =	ssyncadd.s32 $0xFFFFFC00  }
0x12b: {  	_ =	swait.ge @!p0 [sflag:s4], $0x400  }
0x12c: {  	[sflag:s4] =	ssyncset.done @!p0 $0x0  }
0x12d: {  	[sflag:s4] =	ssyncadd.s32 @!p0 $0xFFFFFC00  }
0x12e: {  	_ =	swait.ge @!p0 [sflag:s4], $0x400  }
0x12f: {  	[sflag:s4] =	ssyncset.done @!p0 $0x0  }
0x130: {  	[sflag:s4] =	ssyncadd.s32 @!p0 $0xFFFFFC00  }
0x131: {  	_ =	swait.ge @!p0 [sflag:s4], $0x400  }
0x132: {  	[sflag:s4] =	ssyncset.done @!p0 $0x0  }
0x133: {  	s19 =	simm.s32 $0x1B590;
	[sflag:s4] =	ssyncadd.s32 @!p0 $0xFFFFFC00  }
0x134: {  	s24 =	simm.s32 $0x1B990;
	v0 =	vld [tilespmem:s19+$0x0]  }
0x135: {  	s25 =	simm.s32 $0x1B190;
	v1 =	vld [tilespmem:s24+$0x0]  }
0x136: {  	v2 =	vld [tilespmem:s25+$0x0];
	_ =	sdelay $0x2  }
0x137: {  	v3 =	vmul.f32 $3.199996760e+01, v0  }
0x138: {  	v5 =	vmul.f32 $3.199996760e+01, v1  }
0x139: {  	v7 =	vmul.f32 $3.199996760e+01, v2;
	v0 =	vtrunc.f32 v3  }
0x13a: {  	v1 =	vcvt.f32.s32 v0;
	v0 =	vtrunc.f32 v5  }
0x13b: {  	v2 =	vtrunc.f32 v7;
	v4 =	vcvt.f32.s32 v0  }
0x13c: {  	v2 =	vcvt.f32.s32 v2;
	v0 =	vmul.u32 $0x21, v1  }
0x13d: {  	v6 =	vmul.u32 $0x441, v4  }
0x13e: {  	v0 =	vadd.s32 v2, v0  }
0x13f: {  	v0 =	vadd.s32 v6, v0;
	_ =	sdelay $0x1  }
0x140: {  	v8 =	vld [tilespmem:s24+$0xFFFFFFF0];
	v9 =	vadd.s32 $0x462, v0  }
0x141: {  	v10 =	vld [tilespmem:s25+$0xFFFFFFF0];
	v11 =	vadd.s32 $0x463, v0  }
0x142: {  	v6 =	vld [tilespmem:s19+$0xFFFFFFF0]  }
0x143: {  	v12 =	vld.idx.msk [tilespmem:v0+s3+$0x0], $0xffff  }
0x144: {  	v14 =	vld.idx.msk [tilespmem:v0+s21+$0x0], $0xffff  }
0x145: {  	v15 =	vld.idx.msk [tilespmem:v9+s3+$0x0], $0xffff  }
0x146: {  	v8 =	vmul.f32 $3.199996760e+01, v8;
	v16 =	vadd.s32 $0x441, v0;
	v17 =	vld.idx.msk [tilespmem:v11+s3+$0x0], $0xffff  }
0x147: {  	v18 =	vadd.s32 $0x442, v0;
	v19 =	vld.idx.msk [tilespmem:v9+s20+$0x0], $0xffff  }
0x148: {  	v22 =	vtrunc.f32 v8;
	v20 =	vld.idx.msk [tilespmem:v11+s20+$0x0], $0xffff  }
0x149: {  	v22 =	vcvt.f32.s32 v22;
	v9 =	vld.idx.msk [tilespmem:v9+s21+$0x0], $0xffff  }
0x14a: {  	v11 =	vld.idx.msk [tilespmem:v11+s21+$0x0], $0xffff  }
0x14b: {  	v10 =	vmul.f32 $3.199996760e+01, v10;
	v29 =	vmul.u32 $0x441, v22;
	v23 =	vld.idx.msk [tilespmem:v16+s3+$0x0], $0xffff  }
0x14c: {  	v22 =	vcvt.s32.f32 v22;
	v25 =	vadd.s32 $0x1, v0;
	v6 =	vmul.f32 $3.199996760e+01, v6;
	v26 =	vld.idx.msk [tilespmem:v18+s3+$0x0], $0xffff  }
0x14d: {  	v24 =	vtrunc.f32 v10;
	v40 =	vcvt.s32.f32 v4;
	v28 =	vld.idx.msk [tilespmem:v16+s20+$0x0], $0xffff  }
0x14e: {  	v42 =	vcvt.s32.f32 v2;
	v8 =	vsub.f32 v8, v22;
	v30 =	vld.idx.msk [tilespmem:v18+s20+$0x0], $0xffff;
	v21 =	vtrunc.f32 v6  }
0x14f: {  	v24 =	vcvt.f32.s32 v24;
	v5 =	vsub.f32 v5, v40;
	v16 =	vld.idx.msk [tilespmem:v16+s21+$0x0], $0xffff;
	v21 =	vcvt.f32.s32 v21  }
0x150: {  	v7 =	vsub.f32 v7, v42;
	v31 =	vadd.s32 $0x21, v0;
	v39 =	vsub.f32 $1.000000000e+00, v8;
	v18 =	vld.idx.msk [tilespmem:v18+s21+$0x0], $0xffff  }
0x151: {  	v54 =	vsub.f32 $1.000000000e+00, v5;
	v60 =	vld.idx.msk [tilespmem:v25+s3+$0x0], $0xffff;
	v27 =	vmul.u32 $0x21, v21;
	v17 =	vsub.f32 v17, v15  }
0x152: {  	v36 =	vld.idx.msk [tilespmem:v25+s20+$0x0], $0xffff;
	v21 =	vcvt.s32.f32 v21;
	v20 =	vsub.f32 v20, v19;
	v26 =	vsub.f32 v26, v23  }
0x153: {  	v25 =	vld.idx.msk [tilespmem:v25+s21+$0x0], $0xffff;
	v11 =	vsub.f32 v11, v9;
	v30 =	vsub.f32 v30, v28;
	v27 =	vadd.s32 v24, v27  }
0x154: {  	v13 =	vld.idx.msk [tilespmem:v0+s20+$0x0], $0xffff;
	v21 =	vsub.f32 v6, v21;
	v27 =	vadd.s32 v29, v27;
	v29 =	vadd.s32 $0x22, v0  }
0x155: {  	v41 =	vld.idx.msk [tilespmem:v31+s3+$0x0], $0xffff;
	v18 =	vsub.f32 v18, v16;
	v24 =	vcvt.s32.f32 v24;
	v6 =	vcvt.s32.f32 v1  }
0x156: {  	v63 =	vld.idx.msk [tilespmem:v31+s20+$0x0], $0xffff;
	v32 =	vsub.f32 v60, v12;
	v38 =	vsub.f32 $1.000000000e+00, v21  }
0x157: {  	s19 =	simm.s32 $0x1B1B0;
	v31 =	vld.idx.msk [tilespmem:v31+s21+$0x0], $0xffff;
	v1 =	vsub.f32 v10, v24;
	v10 =	vsub.f32 v3, v6;
	v3 =	vmul.f32 v39, v21  }
0x158: {  	v25 =	vsub.f32 v25, v14;
	v2 =	vmul.f32 v8, v38;
	v8 =	vmul.f32 v8, v21;
	v21 =	vld [tilespmem:s19+$0x0]  }
0x159: {  	v17 =	vmul.f32 v17, v7;
	v20 =	vmul.f32 v20, v7;
	v22 =	vadd.s32 $0x1, v27;
	v24 =	vld.idx.msk [tilespmem:v29+s3+$0x0], $0xffff  }
0x15a: {  	v36 =	vsub.f32 v36, v13;
	v26 =	vmul.f32 v26, v7;
	v11 =	vmul.f32 v11, v7;
	v53 =	vld.idx.msk [tilespmem:v29+s20+$0x0], $0xffff  }
0x15b: {  	v30 =	vmul.f32 v30, v7;
	v25 =	vmul.f32 v25, v7;
	v61 =	vadd.s32 $0x21, v27;
	v29 =	vld.idx.msk [tilespmem:v29+s21+$0x0], $0xffff  }
0x15c: {  	v32 =	vmul.f32 v32, v7;
	v62 =	vadd.s32 $0x22, v27;
	v23 =	vadd.f32 v26, v23;
	v26 =	vld.idx.msk [tilespmem:v27+s3+$0x0], $0xffff  }
0x15d: {  	v36 =	vmul.f32 v36, v7;
	v0 =	vadd.s32 $0x462, v27;
	v14 =	vadd.f32 v25, v14;
	v25 =	vld.idx.msk [tilespmem:v27+s21+$0x0], $0xffff  }
0x15e: {  	v4 =	vadd.s32 $0x463, v27;
	v15 =	vadd.f32 v17, v15;
	v17 =	vadd.f32 v20, v19;
	v44 =	vld.idx.msk [tilespmem:v22+s3+$0x0], $0xffff  }
0x15f: {  	v35 =	vadd.s32 $0x441, v27;
	v9 =	vadd.f32 v11, v9;
	v12 =	vadd.f32 v32, v12;
	v45 =	vld.idx.msk [tilespmem:v22+s20+$0x0], $0xffff  }
0x160: {  	v37 =	vadd.s32 $0x442, v27;
	v13 =	vadd.f32 v36, v13;
	v52 =	vsub.f32 $1.000000000e+00, v10;
	v19 =	vld.idx.msk [tilespmem:v61+s21+$0x0], $0xffff  }
0x161: {  	v6 =	vmul.f32 v39, v38;
	v43 =	vmul.f32 v5, v10;
	v11 =	vld.idx.msk [tilespmem:v62+s21+$0x0], $0xffff;
	v24 =	vsub.f32 v24, v41  }
0x162: {  	v10 =	vmul.f32 v54, v10;
	v38 =	vmul.f32 v54, v52;
	v40 =	vld.idx.msk [tilespmem:v0+s21+$0x0], $0xffff;
	v39 =	vsub.f32 v53, v63  }
0x163: {  	v28 =	vadd.f32 v30, v28;
	v5 =	vmul.f32 v5, v52;
	v57 =	vld.idx.msk [tilespmem:v4+s21+$0x0], $0xffff;
	v20 =	vmul.f32 v24, v7  }
0x164: {  	v22 =	vld.idx.msk [tilespmem:v22+s21+$0x0], $0xffff;
	v12 =	vmul.f32 v38, v12;
	v29 =	vsub.f32 v29, v31;
	v24 =	vmul.f32 v39, v7  }
0x165: {  	v55 =	vld.idx.msk [tilespmem:v61+s3+$0x0], $0xffff;
	v13 =	vmul.f32 v13, v38;
	v14 =	vmul.f32 v14, v38;
	v20 =	vadd.f32 v20, v41  }
0x166: {  	v46 =	vld.idx.msk [tilespmem:v62+s3+$0x0], $0xffff;
	v23 =	vmul.f32 v23, v5;
	v29 =	vmul.f32 v29, v7;
	v24 =	vadd.f32 v24, v63  }
0x167: {  	v38 =	vld.idx.msk [tilespmem:v0+s20+$0x0], $0xffff;
	v11 =	vsub.f32 v11, v19;
	v7 =	vmul.f32 v18, v7;
	v20 =	vmul.f32 v20, v10  }
0x168: {  	v42 =	vsub.f32 v57, v40;
	v18 =	vld.idx.msk [tilespmem:v27+s20+$0x0], $0xffff;
	v27 =	vadd.f32 v29, v31;
	v24 =	vmul.f32 v24, v10  }
0x169: {  	v39 =	vld.idx.msk [tilespmem:v4+s20+$0x0], $0xffff;
	v11 =	vmul.f32 v11, v1;
	v7 =	vadd.f32 v7, v16;
	v12 =	vadd.f32 v20, v12  }
0x16a: {  	v29 =	vld.idx.msk [tilespmem:v35+s3+$0x0], $0xffff;
	v10 =	vmul.f32 v27, v10;
	v13 =	vadd.f32 v24, v13;
	v24 =	vmul.f32 v28, v5  }
0x16b: {  	v16 =	vld.idx.msk [tilespmem:v37+s3+$0x0], $0xffff;
	v5 =	vmul.f32 v7, v5;
	v7 =	vmul.f32 v15, v43;
	v12 =	vadd.f32 v23, v12  }
0x16c: {  	s26 =	simm.s32 $0x1B5B0;
	v19 =	vadd.f32 v11, v19;
	v15 =	vmul.f32 v17, v43;
	v17 =	vld.idx.msk [tilespmem:v37+s21+$0x0], $0xffff;
	v13 =	vadd.f32 v24, v13  }
0x16d: {  	s18 =	simm.s32 $0x1B9B0;
	v9 =	vmul.f32 v9, v43;
	v10 =	vadd.f32 v10, v14;
	v24 =	vadd.f32 v7, v12;
	v12 =	vld [tilespmem:s26+$0x0]  }
0x16e: {  	v21 =	vmul.f32 $3.199996760e+01, v21;
	v39 =	vsub.f32 v39, v38;
	v7 =	vadd.f32 v15, v13;
	v15 =	vld [tilespmem:s18+$0x0]  }
0x16f: {  	v42 =	vmul.f32 v42, v1;
	v14 =	vsub.f32 v44, v26;
	v23 =	vld.idx.msk [tilespmem:v35+s21+$0x0], $0xffff;
	v5 =	vadd.f32 v5, v10  }
0x170: {  	v19 =	vmul.f32 v19, v3;
	v16 =	vsub.f32 v16, v29;
	v10 =	vsub.f32 v45, v18  }
0x171: {  	v47 =	vld.idx.msk [tilespmem:v61+s20+$0x0], $0xffff;
	v14 =	vmul.f32 v14, v1;
	v13 =	vsub.f32 v22, v25;
	v9 =	vadd.f32 v9, v5  }
0x172: {  	v28 =	vld [tilespmem:s26+$0xFFFFFFF0];
	v5 =	vsub.f32 v46, v55;
	v10 =	vmul.f32 v10, v1;
	v30 =	vmul.f32 $3.199996760e+01, v12  }
0x173: {  	v14 =	vadd.f32 v14, v26;
	v13 =	vmul.f32 v13, v1;
	v12 =	vld [tilespmem:s19+$0xFFFFFFF0];
	v26 =	vmul.f32 $3.199996760e+01, v15  }
0x174: {  	v5 =	vmul.f32 v5, v1;
	v31 =	vsub.f32 v17, v23;
	v15 =	vld [tilespmem:s18+$0xFFFFFFF0];
	v17 =	vtrunc.f32 v30  }
0x175: {  	v48 =	vld.idx.msk [tilespmem:v62+s20+$0x0], $0xffff;
	v18 =	vadd.f32 v10, v18;
	v10 =	vtrunc.f32 v26;
	v32 =	vcvt.f32.s32 v17  }
0x176: {  	v27 =	vld.idx.msk [tilespmem:v37+s20+$0x0], $0xffff;
	v25 =	vadd.f32 v13, v25;
	v13 =	vtrunc.f32 v21;
	v33 =	vcvt.f32.s32 v10  }
0x177: {  	v20 =	vld.idx.msk [tilespmem:v35+s20+$0x0], $0xffff;
	v10 =	vmul.f32 $3.199996760e+01, v28;
	v28 =	vcvt.f32.s32 v13;
	v13 =	vmul.u32 $0x21, v32  }
0x178: {  	v34 =	vadd.f32 v5, v55;
	v5 =	vmul.f32 $3.199996760e+01, v12;
	v12 =	vmul.u32 $0x441, v33  }
0x179: {  	v39 =	vmul.f32 v39, v1;
	v15 =	vmul.f32 $3.199996760e+01, v15;
	v13 =	vadd.s32 v28, v13  }
0x17a: {  	v16 =	vmul.f32 v16, v1;
	v17 =	vtrunc.f32 v10;
	v37 =	vadd.s32 v12, v13  }
0x17b: {  	v22 =	vsub.f32 v48, v47;
	v17 =	vcvt.f32.s32 v17;
	v12 =	vtrunc.f32 v15  }
0x17c: {  	v56 =	vld.idx.msk [tilespmem:v4+s3+$0x0], $0xffff;
	v27 =	vsub.f32 v27, v20;
	v13 =	vtrunc.f32 v5;
	v11 =	vcvt.f32.s32 v12  }
0x17d: {  	v35 =	vld.idx.msk [tilespmem:v0+s3+$0x0], $0xffff;
	v16 =	vadd.f32 v16, v29;
	v12 =	vcvt.f32.s32 v13;
	v41 =	vadd.s32 $0x462, v37  }
0x17e: {  	v13 =	vmul.u32 $0x21, v17;
	v58 =	vadd.s32 $0x463, v37;
	v4 =	vcvt.s32.f32 v11  }
0x17f: {  	v22 =	vmul.f32 v22, v1;
	v0 =	vcvt.s32.f32 v17;
	v17 =	vmul.u32 $0x441, v11;
	v11 =	vld.idx.msk [tilespmem:v37+s3+$0x0], $0xffff  }
0x180: {  	v59 =	vcvt.s32.f32 v12;
	v12 =	vadd.s32 v12, v13;
	v61 =	vsub.f32 v15, v4;
	v15 =	vld.idx.msk [tilespmem:v37+s20+$0x0], $0xffff  }
0x181: {  	v14 =	vmul.f32 v6, v14;
	v60 =	vsub.f32 v10, v0;
	v10 =	vadd.s32 v17, v12;
	v17 =	vld.idx.msk [tilespmem:v37+s21+$0x0], $0xffff  }
0x182: {  	v36 =	vsub.f32 v56, v35;
	v27 =	vmul.f32 v27, v1;
	v16 =	vmul.f32 v16, v2;
	v50 =	vld.idx.msk [tilespmem:v41+s3+$0x0], $0xffff  }
0x183: {  	v22 =	vadd.f32 v22, v47;
	v18 =	vmul.f32 v18, v6;
	v51 =	vadd.s32 $0x441, v37;
	v52 =	vld.idx.msk [tilespmem:v58+s3+$0x0], $0xffff  }
0x184: {  	v31 =	vmul.f32 v31, v1;
	v36 =	vmul.f32 v36, v1;
	v53 =	vadd.s32 $0x442, v37;
	v54 =	vld.idx.msk [tilespmem:v41+s20+$0x0], $0xffff  }
0x185: {  	v20 =	vadd.f32 v27, v20;
	v34 =	vmul.f32 v34, v3;
	v22 =	vmul.f32 v22, v3;
	v29 =	vld.idx.msk [tilespmem:v58+s20+$0x0], $0xffff  }
0x186: {  	v6 =	vmul.f32 v25, v6;
	v23 =	vadd.f32 v31, v23;
	v35 =	vadd.f32 v36, v35;
	v41 =	vld.idx.msk [tilespmem:v41+s21+$0x0], $0xffff  }
0x187: {  	v20 =	vmul.f32 v20, v2;
	v14 =	vadd.f32 v34, v14;
	v18 =	vadd.f32 v22, v18;
	v43 =	vld.idx.msk [tilespmem:v58+s21+$0x0], $0xffff  }
0x188: {  	v6 =	vadd.f32 v19, v6;
	v2 =	vmul.f32 v23, v2;
	v31 =	vadd.s32 $0x1, v37;
	v27 =	vld.idx.msk [tilespmem:v51+s3+$0x0], $0xffff  }
0x189: {  	s30 =	simm.s32 $0x1C990;
	v23 =	vadd.f32 v39, v38;
	v14 =	vadd.f32 v16, v14;
	v19 =	vadd.s32 $0x21, v37;
	v55 =	vld.idx.msk [tilespmem:v53+s3+$0x0], $0xffff  }
0x18a: {  	s4 =	simm.s32 $0x1CD90;
	[tilespmem:s30+$0x0] =	vst v24;
	v18 =	vadd.f32 v20, v18;
	v57 =	vcvt.s32.f32 v33;
	v24 =	vadd.s32 $0x22, v37;
	v34 =	vld.idx.msk [tilespmem:v51+s20+$0x0], $0xffff  }
0x18b: {  	s9 =	simm.s32 $0x1D190;
	[tilespmem:s4+$0x0] =	vst v7;
	v20 =	vmul.f32 v35, v8;
	v7 =	vadd.f32 v2, v6;
	v2 =	vcvt.s32.f32 v32;
	v22 =	vld.idx.msk [tilespmem:v53+s20+$0x0], $0xffff  }
0x18c: {  	[tilespmem:s9+$0x0] =	vst v9;
	v16 =	vadd.f32 v42, v40;
	v9 =	vcvt.s32.f32 v28;
	v26 =	vsub.f32 v26, v57;
	v51 =	vld.idx.msk [tilespmem:v51+s21+$0x0], $0xffff  }
0x18d: {  	v14 =	vadd.f32 v20, v14;
	v20 =	vmul.f32 v23, v8;
	v23 =	vsub.f32 v30, v2;
	v56 =	vld.idx.msk [tilespmem:v31+s20+$0x0], $0xffff  }
0x18e: {  	v8 =	vmul.f32 v16, v8;
	v16 =	vsub.f32 $1.000000000e+00, v26;
	v28 =	vld.idx.msk [tilespmem:v19+s3+$0x0], $0xffff  }
0x18f: {  	v32 =	vsub.f32 v21, v9;
	[tilespmem:s30+$0xFFFFFFF0] =	vst v14;
	v14 =	vsub.f32 $1.000000000e+00, v23;
	v30 =	vld.idx.msk [tilespmem:v24+s3+$0x0], $0xffff  }
0x190: {  	v9 =	vadd.f32 v20, v18;
	v35 =	vmul.f32 v26, v23;
	v44 =	vmul.f32 v16, v23;
	v33 =	vld.idx.msk [tilespmem:v19+s20+$0x0], $0xffff  }
0x191: {  	v63 =	vsub.f32 $1.000000000e+00, v60;
	v42 =	vmul.f32 v16, v14;
	v18 =	vld.idx.msk [tilespmem:v24+s20+$0x0], $0xffff;
	v25 =	vsub.f32 $1.000000000e+00, v61  }
0x192: {  	v0 =	vsub.f32 v5, v59;
	v62 =	vadd.s32 $0x1, v10;
	v48 =	vadd.s32 $0x21, v10;
	v38 =	vld.idx.msk [tilespmem:v19+s21+$0x0], $0xffff  }
0x193: {  	v49 =	vadd.s32 $0x22, v10;
	v1 =	vmul.f32 v25, v63;
	v3 =	vmul.f32 v25, v60;
	v25 =	vld.idx.msk [tilespmem:v53+s21+$0x0], $0xffff  }
0x194: {  	v13 =	vadd.s32 $0x441, v10;
	v12 =	vadd.s32 $0x442, v10;
	v4 =	vadd.s32 $0x462, v10;
	v53 =	vld.idx.msk [tilespmem:v31+s3+$0x0], $0xffff  }
0x195: {  	v6 =	vmul.f32 v61, v63;
	v31 =	vld.idx.msk [tilespmem:v31+s21+$0x0], $0xffff;
	v19 =	vsub.f32 v52, v50;
	v21 =	vsub.f32 v29, v54  }
0x196: {  	v29 =	vmul.f32 v26, v14;
	v26 =	vld.idx.msk [tilespmem:v24+s21+$0x0], $0xffff;
	v24 =	vsub.f32 v55, v27;
	v58 =	vsub.f32 v43, v41  }
0x197: {  	v2 =	vmul.f32 v61, v60;
	v40 =	vld.idx.msk [tilespmem:v62+s3+$0x0], $0xffff;
	v22 =	vsub.f32 v22, v34;
	v59 =	vsub.f32 v56, v15  }
0x198: {  	v43 =	vld.idx.msk [tilespmem:v62+s20+$0x0], $0xffff;
	v30 =	vsub.f32 v30, v28;
	v19 =	vmul.f32 v19, v32;
	v21 =	vmul.f32 v21, v32  }
0x199: {  	v20 =	vld.idx.msk [tilespmem:v62+s21+$0x0], $0xffff;
	v61 =	vsub.f32 v18, v33;
	v60 =	vmul.f32 v24, v32;
	v39 =	vmul.f32 v58, v32  }
0x19a: {  	v14 =	vld.idx.msk [tilespmem:v48+s3+$0x0], $0xffff;
	v22 =	vmul.f32 v22, v32;
	v25 =	vsub.f32 v25, v51;
	v23 =	vsub.f32 v53, v11  }
0x19b: {  	v16 =	vld.idx.msk [tilespmem:v48+s20+$0x0], $0xffff;
	v36 =	vmul.f32 v59, v32;
	v31 =	vsub.f32 v31, v17;
	v50 =	vadd.f32 v19, v50  }
0x19c: {  	v18 =	vld.idx.msk [tilespmem:v48+s21+$0x0], $0xffff;
	v56 =	vadd.f32 v21, v54;
	v19 =	vmul.f32 v30, v32;
	v27 =	vadd.f32 v60, v27  }
0x19d: {  	v24 =	vld.idx.msk [tilespmem:v49+s3+$0x0], $0xffff;
	v57 =	vadd.f32 v39, v41;
	v30 =	vadd.f32 v22, v34;
	v23 =	vmul.f32 v23, v32  }
0x19e: {  	v5 =	vadd.s32 $0x463, v10;
	v21 =	vld.idx.msk [tilespmem:v10+s3+$0x0], $0xffff;
	v15 =	vadd.f32 v36, v15;
	v63 =	vsub.f32 v26, v38  }
0x19f: {  	v22 =	vld.idx.msk [tilespmem:v10+s20+$0x0], $0xffff;
	v31 =	vmul.f32 v31, v32;
	v11 =	vadd.f32 v23, v11;
	v23 =	vmul.f32 v61, v32  }
0x1a0: {  	v62 =	vmul.f32 v25, v32;
	v26 =	vld.idx.msk [tilespmem:v49+s20+$0x0], $0xffff;
	v28 =	vadd.f32 v19, v28;
	v32 =	vmul.f32 v63, v32  }
0x1a1: {  	v25 =	vld.idx.msk [tilespmem:v49+s21+$0x0], $0xffff;
	v17 =	vadd.f32 v31, v17;
	v31 =	vmul.f32 v27, v29;
	v23 =	vadd.f32 v23, v33  }
0x1a2: {  	v19 =	vld.idx.msk [tilespmem:v10+s21+$0x0], $0xffff;
	v27 =	vmul.f32 v28, v44;
	v11 =	vmul.f32 v42, v11;
	v28 =	vadd.f32 v32, v38  }
0x1a3: {  	v10 =	vld.idx.msk [tilespmem:v13+s3+$0x0], $0xffff;
	v15 =	vmul.f32 v15, v42;
	v59 =	vadd.f32 v62, v51;
	v58 =	vmul.f32 v23, v44  }
0x1a4: {  	v17 =	vmul.f32 v17, v42;
	v23 =	vld.idx.msk [tilespmem:v12+s3+$0x0], $0xffff;
	v60 =	vadd.f32 v27, v11;
	v28 =	vmul.f32 v28, v44  }
0x1a5: {  	v30 =	vmul.f32 v30, v29;
	v61 =	vmul.f32 v50, v35;
	v11 =	vld.idx.msk [tilespmem:v13+s20+$0x0], $0xffff;
	v15 =	vadd.f32 v58, v15  }
0x1a6: {  	v29 =	vmul.f32 v59, v29;
	v27 =	vld.idx.msk [tilespmem:v12+s20+$0x0], $0xffff;
	v17 =	vadd.f32 v28, v17;
	v28 =	vadd.f32 v31, v60  }
0x1a7: {  	v63 =	vmul.f32 v56, v35;
	v13 =	vld.idx.msk [tilespmem:v13+s21+$0x0], $0xffff;
	v31 =	vsub.f32 v40, v21;
	v62 =	vadd.f32 v30, v15  }
0x1a8: {  	s28 =	simm.s32 $0x20;
	s29 =	simm.s32 $0x1B5D0;
	v32 =	vmul.f32 v57, v35;
	v15 =	vld.idx.msk [tilespmem:v12+s21+$0x0], $0xffff;
	v30 =	vadd.f32 v29, v17;
	v28 =	vadd.f32 v61, v28  }
0x1a9: {  	s24 =	simm.s32 $0x1C9B0;
	s25 =	simm.s32 $0x1D190;
	s26 =	simm.s32 $0x1CD90;
	v29 =	vmul.f32 v31, v0;
	v31 =	vsub.f32 v43, v22;
	v12 =	vld.idx.msk [tilespmem:v4+s3+$0x0], $0xffff;
	v17 =	vadd.f32 v63, v62  }
.LBB2_5:
0x1aa: {  	v33 =	vld [tilespmem:s29+$0x0];
	v20 =	vsub.f32 v20, v19;
	v30 =	vadd.f32 v32, v30;
	[tilespmem:s24+$0x0] =	vst v28;
	s18 =	sadd.s32 $0x20, s18;
	s4 =	sadd.s32 $0x20, s4  }
0x1ab: {  	v24 =	vsub.f32 v24, v14;
	v26 =	vsub.f32 v26, v16;
	s19 =	sadd.s32 $0x20, s19;
	s9 =	sadd.s32 $0x20, s9;
	v28 =	vld [tilespmem:s18+$0x0];
	v31 =	vmul.f32 v31, v0;
	[tilespmem:s4+$0x0] =	vst v17  }
0x1ac: {  	v25 =	vsub.f32 v25, v18;
	v23 =	vsub.f32 v23, v10;
	v17 =	vld [tilespmem:s19+$0x0];
	v20 =	vmul.f32 v20, v0;
	[tilespmem:s9+$0x0] =	vst v30  }
0x1ad: {  	v32 =	vsub.f32 v27, v11;
	v24 =	vmul.f32 v24, v0;
	v26 =	vmul.f32 v26, v0;
	v30 =	vld [tilespmem:s29+$0xFFFFFFF0];
	[tilespmem:s26+$0xFFFFFFF0] =	vst v9;
	s26 =	smov.u32 s4  }
0x1ae: {  	v29 =	vadd.f32 v29, v21;
	v21 =	vmul.f32 v25, v0;
	v34 =	vsub.f32 v15, v13;
	v27 =	vld [tilespmem:s18+$0xFFFFFFF0]  }
0x1af: {  	v31 =	vadd.f32 v31, v22;
	v15 =	vld [tilespmem:s19+$0xFFFFFFF0];
	v9 =	vmul.f32 $3.199996760e+01, v33;
	v33 =	vadd.f32 v20, v19  }
0x1b0: {  	v35 =	vadd.f32 v24, v14;
	v36 =	vadd.f32 v26, v16;
	v20 =	vmul.f32 $3.199996760e+01, v28;
	v19 =	vld.idx.msk [tilespmem:v5+s3+$0x0], $0xffff  }
0x1b1: {  	v37 =	vadd.f32 v21, v18;
	v14 =	vmul.f32 $3.199996760e+01, v17;
	v16 =	vtrunc.f32 v9;
	v38 =	vld.idx.msk [tilespmem:v4+s20+$0x0], $0xffff  }
0x1b2: {  	v7 =	vadd.f32 v8, v7;
	v16 =	vcvt.f32.s32 v16;
	v17 =	vtrunc.f32 v20;
	v39 =	vld.idx.msk [tilespmem:v5+s20+$0x0], $0xffff  }
0x1b3: {  	v8 =	vtrunc.f32 v14;
	v26 =	vcvt.f32.s32 v17;
	v40 =	vld.idx.msk [tilespmem:v4+s21+$0x0], $0xffff  }
0x1b4: {  	v4 =	vmul.f32 $3.199996760e+01, v30;
	v8 =	vcvt.f32.s32 v8;
	v17 =	vmul.u32 $0x21, v16;
	v30 =	vld.idx.msk [tilespmem:v5+s21+$0x0], $0xffff;
	[tilespmem:s25+$0xFFFFFFF0] =	vst v7;
	s25 =	smov.u32 s9  }
0x1b5: {  	v5 =	vmul.f32 $3.199996760e+01, v15;
	v7 =	vmul.f32 $3.199996760e+01, v27;
	v15 =	vmul.u32 $0x441, v26  }
0x1b6: {  	v41 =	vmul.f32 v23, v0;
	v18 =	vtrunc.f32 v4;
	v17 =	vadd.s32 v8, v17  }
0x1b7: {  	v18 =	vcvt.f32.s32 v18;
	v21 =	vtrunc.f32 v7;
	v42 =	vadd.s32 v15, v17  }
0x1b8: {  	v43 =	vsub.f32 v19, v12;
	v15 =	vtrunc.f32 v5;
	v17 =	vcvt.f32.s32 v21  }
0x1b9: {  	v15 =	vcvt.f32.s32 v15;
	v19 =	vcvt.s32.f32 v18;
	v18 =	vmul.u32 $0x21, v18  }
0x1ba: {  	v44 =	vadd.s32 $0x462, v42;
	v21 =	vcvt.s32.f32 v17;
	v17 =	vmul.u32 $0x441, v17  }
0x1bb: {  	v45 =	vadd.s32 $0x463, v42;
	v27 =	vcvt.s32.f32 v15;
	v15 =	vadd.s32 v15, v18  }
0x1bc: {  	v46 =	vsub.f32 v4, v19;
	v7 =	vsub.f32 v7, v21;
	v19 =	vadd.s32 v17, v15;
	v21 =	vld.idx.msk [tilespmem:v42+s3+$0x0], $0xffff  }
0x1bd: {  	v24 =	vadd.s32 $0x1, v19;
	v18 =	vadd.s32 $0x21, v19;
	v25 =	vadd.s32 $0x22, v19;
	v22 =	vld.idx.msk [tilespmem:v42+s20+$0x0], $0xffff  }
0x1be: {  	v17 =	vadd.s32 $0x441, v19;
	v15 =	vadd.s32 $0x442, v19;
	v4 =	vadd.s32 $0x462, v19;
	v23 =	vld.idx.msk [tilespmem:v42+s21+$0x0], $0xffff  }
0x1bf: {  	v47 =	vsub.f32 v5, v27;
	v48 =	vsub.f32 $1.000000000e+00, v46;
	v5 =	vadd.s32 $0x463, v19;
	v27 =	vld.idx.msk [tilespmem:v44+s3+$0x0], $0xffff  }
0x1c0: {  	v32 =	vmul.f32 v32, v0;
	v50 =	vadd.s32 $0x441, v42;
	v49 =	vsub.f32 $1.000000000e+00, v7;
	v51 =	vld.idx.msk [tilespmem:v45+s3+$0x0], $0xffff  }
0x1c1: {  	v34 =	vmul.f32 v34, v0;
	v39 =	vsub.f32 v39, v38;
	v52 =	vadd.s32 $0x442, v42;
	v28 =	vld.idx.msk [tilespmem:v44+s20+$0x0], $0xffff  }
0x1c2: {  	s28 =	sadd.s32 $0x20, s28;
	v30 =	vsub.f32 v30, v40;
	v53 =	vmul.f32 v49, v48;
	v49 =	vmul.f32 v49, v46;
	v54 =	vld.idx.msk [tilespmem:v45+s20+$0x0], $0xffff  }
0x1c3: {  	p0 =	slt.u32 s28, $0x3E0;
	v29 =	vmul.f32 v1, v29;
	v10 =	vadd.f32 v41, v10;
	v31 =	vmul.f32 v31, v1;
	v44 =	vld.idx.msk [tilespmem:v44+s21+$0x0], $0xffff  }
0x1c4: {  	v11 =	vadd.f32 v32, v11;
	v35 =	vmul.f32 v35, v3;
	v33 =	vmul.f32 v33, v1;
	v41 =	vld.idx.msk [tilespmem:v45+s21+$0x0], $0xffff  }
0x1c5: {  	v36 =	vmul.f32 v36, v3;
	v3 =	vmul.f32 v37, v3;
	v13 =	vadd.f32 v34, v13;
	v32 =	vld.idx.msk [tilespmem:v50+s3+$0x0], $0xffff  }
0x1c6: {  	v43 =	vmul.f32 v43, v0;
	v34 =	vadd.s32 $0x1, v42;
	v39 =	vmul.f32 v39, v0;
	v1 =	vmovc v53;
	v37 =	vld.idx.msk [tilespmem:v52+s3+$0x0], $0xffff  }
0x1c7: {  	v29 =	vadd.f32 v35, v29;
	v30 =	vmul.f32 v30, v0;
	v45 =	vmul.f32 v7, v48;
	v48 =	vld.idx.msk [tilespmem:v50+s20+$0x0], $0xffff  }
0x1c8: {  	v10 =	vmul.f32 v10, v6;
	v31 =	vadd.f32 v36, v31;
	v33 =	vadd.f32 v3, v33;
	v35 =	vld.idx.msk [tilespmem:v52+s20+$0x0], $0xffff  }
0x1c9: {  	v11 =	vmul.f32 v11, v6;
	v6 =	vmul.f32 v13, v6;
	v36 =	vadd.s32 $0x21, v42;
	v0 =	vmovc v47;
	v50 =	vld.idx.msk [tilespmem:v50+s21+$0x0], $0xffff  }
0x1ca: {  	v13 =	vadd.s32 $0x22, v42;
	v12 =	vadd.f32 v43, v12;
	v38 =	vadd.f32 v39, v38;
	v3 =	vmovc v49;
	v42 =	vld.idx.msk [tilespmem:v52+s21+$0x0], $0xffff  }
0x1cb: {  	v10 =	vadd.f32 v10, v29;
	v39 =	vmul.f32 v7, v46;
	v29 =	vadd.f32 v30, v40;
	v43 =	vld.idx.msk [tilespmem:v34+s3+$0x0], $0xffff  }
0x1cc: {  	v11 =	vadd.f32 v11, v31;
	v12 =	vmul.f32 v12, v2;
	v7 =	vadd.f32 v6, v33;
	v30 =	vld.idx.msk [tilespmem:v34+s20+$0x0], $0xffff  }
0x1cd: {  	v16 =	vcvt.s32.f32 v16;
	v26 =	vcvt.s32.f32 v26;
	v6 =	vmov v45;
	v31 =	vld.idx.msk [tilespmem:v34+s21+$0x0], $0xffff  }
0x1ce: {  	v10 =	vadd.f32 v12, v10;
	v12 =	vmul.f32 v38, v2;
	v33 =	vcvt.s32.f32 v8;
	v34 =	vld.idx.msk [tilespmem:v36+s3+$0x0], $0xffff  }
0x1cf: {  	v16 =	vsub.f32 v9, v16;
	v20 =	vsub.f32 v20, v26;
	v8 =	vmul.f32 v29, v2;
	v26 =	vld.idx.msk [tilespmem:v13+s3+$0x0], $0xffff  }
0x1d0: {  	v9 =	vadd.f32 v12, v11;
	v2 =	vmov v39;
	v29 =	vsub.f32 v14, v33;
	v33 =	vld.idx.msk [tilespmem:v36+s20+$0x0], $0xffff;
	[tilespmem:s24+$0xFFFFFFF0] =	vst v10  }
0x1d1: {  	v11 =	vsub.f32 $1.000000000e+00, v20;
	v10 =	vsub.f32 $1.000000000e+00, v16;
	v12 =	vld.idx.msk [tilespmem:v13+s20+$0x0], $0xffff  }
0x1d2: {  	v38 =	vmul.f32 v20, v16;
	v14 =	vsub.f32 v51, v27;
	v39 =	vsub.f32 v54, v28;
	v36 =	vld.idx.msk [tilespmem:v36+s21+$0x0], $0xffff  }
0x1d3: {  	v41 =	vsub.f32 v41, v44;
	v37 =	vsub.f32 v37, v32;
	v40 =	vmul.f32 v20, v10;
	v13 =	vld.idx.msk [tilespmem:v13+s21+$0x0], $0xffff  }
0x1d4: {  	v46 =	vmul.f32 v11, v10;
	v10 =	vsub.f32 v35, v48;
	v35 =	vsub.f32 v42, v50;
	v45 =	vld.idx.msk [tilespmem:v24+s3+$0x0], $0xffff  }
0x1d5: {  	v43 =	vsub.f32 v43, v21;
	v30 =	vsub.f32 v30, v22;
	v11 =	vmul.f32 v11, v16;
	v42 =	vld.idx.msk [tilespmem:v24+s20+$0x0], $0xffff  }
0x1d6: {  	v47 =	vmul.f32 v14, v29;
	v39 =	vmul.f32 v39, v29;
	v31 =	vsub.f32 v31, v23;
	v20 =	vld.idx.msk [tilespmem:v24+s21+$0x0], $0xffff  }
0x1d7: {  	v41 =	vmul.f32 v41, v29;
	v37 =	vmul.f32 v37, v29;
	v49 =	vsub.f32 v26, v34;
	v14 =	vld.idx.msk [tilespmem:v18+s3+$0x0], $0xffff  }
0x1d8: {  	v10 =	vmul.f32 v10, v29;
	v35 =	vmul.f32 v35, v29;
	v12 =	vsub.f32 v12, v33;
	v24 =	vld.idx.msk [tilespmem:v25+s3+$0x0], $0xffff  }
0x1d9: {  	v43 =	vmul.f32 v43, v29;
	v30 =	vmul.f32 v30, v29;
	v13 =	vsub.f32 v13, v36;
	v16 =	vld.idx.msk [tilespmem:v18+s20+$0x0], $0xffff  }
0x1da: {  	v27 =	vadd.f32 v47, v27;
	v28 =	vadd.f32 v39, v28;
	v31 =	vmul.f32 v31, v29;
	v26 =	vld.idx.msk [tilespmem:v25+s20+$0x0], $0xffff  }
0x1db: {  	v32 =	vadd.f32 v37, v32;
	v37 =	vadd.f32 v41, v44;
	v39 =	vmul.f32 v49, v29;
	v18 =	vld.idx.msk [tilespmem:v18+s21+$0x0], $0xffff  }
0x1dc: {  	v41 =	vadd.f32 v43, v21;
	v43 =	vadd.f32 v10, v48;
	v12 =	vmul.f32 v12, v29;
	v25 =	vld.idx.msk [tilespmem:v25+s21+$0x0], $0xffff  }
0x1dd: {  	v30 =	vadd.f32 v30, v22;
	v10 =	vadd.f32 v39, v34;
	v13 =	vmul.f32 v13, v29;
	v21 =	vld.idx.msk [tilespmem:v19+s3+$0x0], $0xffff  }
0x1de: {  	v29 =	vadd.f32 v31, v23;
	v12 =	vadd.f32 v12, v33;
	v31 =	vmul.f32 v32, v40;
	v22 =	vld.idx.msk [tilespmem:v19+s20+$0x0], $0xffff  }
0x1df: {  	v32 =	vmul.f32 v46, v41;
	v33 =	vmul.f32 v10, v11;
	v13 =	vadd.f32 v13, v36;
	v19 =	vld.idx.msk [tilespmem:v19+s21+$0x0], $0xffff  }
0x1e0: {  	v30 =	vmul.f32 v30, v46;
	v34 =	vadd.f32 v35, v50;
	v12 =	vmul.f32 v12, v11;
	v10 =	vld.idx.msk [tilespmem:v17+s3+$0x0], $0xffff  }
0x1e1: {  	v29 =	vmul.f32 v29, v46;
	v32 =	vadd.f32 v33, v32;
	v13 =	vmul.f32 v13, v11;
	v23 =	vld.idx.msk [tilespmem:v15+s3+$0x0], $0xffff  }
.Ltmp1:
0x1e2: {  	v33 =	vmul.f32 v27, v38;
	v12 =	vadd.f32 v12, v30;
	v30 =	vmul.f32 v43, v40;
	v11 =	vld.idx.msk [tilespmem:v17+s20+$0x0], $0xffff;
	(pc) =	sbr.rel @p0 .LBB2_5-.Ltmp1, $4  }
0x1e3: {  	v31 =	vadd.f32 v31, v32;
	v32 =	vmul.f32 v34, v40;
	v29 =	vadd.f32 v13, v29;
	v27 =	vld.idx.msk [tilespmem:v15+s20+$0x0], $0xffff  }
0x1e4: {  	v35 =	vmul.f32 v28, v38;
	v34 =	vsub.f32 v45, v21;
	v13 =	vld.idx.msk [tilespmem:v17+s21+$0x0], $0xffff;
	v17 =	vadd.f32 v30, v12  }
0x1e5: {  	v28 =	vadd.f32 v33, v31;
	v30 =	vadd.f32 v32, v29;
	v32 =	vmul.f32 v37, v38;
	v15 =	vld.idx.msk [tilespmem:v15+s21+$0x0], $0xffff  }
0x1e6: {  	s29 =	sadd.s32 $0x20, s29;
	s24 =	sadd.s32 $0x20, s24;
	v31 =	vsub.f32 v42, v22;
	v29 =	vmul.f32 v34, v0;
	v12 =	vld.idx.msk [tilespmem:v4+s3+$0x0], $0xffff;
	v17 =	vadd.f32 v35, v17  }
0x1e7: {  	_ =	sdelay $0x2  }
0x1e8: {  	v20 =	vsub.f32 v20, v19;
	v30 =	vadd.f32 v32, v30  }
0x1e9: {  	v63 =	vld.idx.msk [tilespmem:v5+s3+$0x0], $0xffff;
	v24 =	vsub.f32 v24, v14;
	v26 =	vsub.f32 v26, v16  }
0x1ea: {  	v36 =	vld.idx.msk [tilespmem:v4+s20+$0x0], $0xffff;
	v25 =	vsub.f32 v25, v18;
	v23 =	vsub.f32 v23, v10  }
0x1eb: {  	v37 =	vld.idx.msk [tilespmem:v5+s20+$0x0], $0xffff;
	v31 =	vmul.f32 v31, v0;
	v21 =	vadd.f32 v29, v21;
	v20 =	vmul.f32 v20, v0  }
0x1ec: {  	v38 =	vld.idx.msk [tilespmem:v4+s21+$0x0], $0xffff;
	v27 =	vsub.f32 v27, v11;
	v24 =	vmul.f32 v24, v0;
	v26 =	vmul.f32 v26, v0  }
0x1ed: {  	v39 =	vld.idx.msk [tilespmem:v5+s21+$0x0], $0xffff;
	v25 =	vmul.f32 v25, v0;
	v22 =	vadd.f32 v31, v22;
	v15 =	vsub.f32 v15, v13  }
0x1ee: {  	v44 =	vmul.f32 v23, v0;
	v40 =	vadd.f32 v20, v19;
	v41 =	vadd.f32 v24, v14  }
0x1ef: {  	v46 =	vmul.f32 v27, v0;
	v42 =	vadd.f32 v26, v16;
	v43 =	vadd.f32 v25, v18  }
0x1f0: {  	v21 =	vmul.f32 v1, v21;
	v48 =	vadd.f32 v44, v10;
	v45 =	vsub.f32 v63, v12  }
0x1f1: {  	v15 =	vmul.f32 v15, v0;
	v47 =	vsub.f32 v37, v36;
	v22 =	vmul.f32 v22, v1  }
0x1f2: {  	v5 =	vsub.f32 v39, v38;
	v49 =	vmul.f32 v40, v1;
	v14 =	vmul.f32 v41, v3  }
0x1f3: {  	v50 =	vadd.f32 v46, v11;
	v16 =	vmul.f32 v42, v3;
	v51 =	vmul.f32 v43, v3  }
0x1f4: {  	v57 =	vmul.f32 v48, v6;
	v52 =	vadd.f32 v15, v13;
	v53 =	vmul.f32 v45, v0  }
0x1f5: {  	v54 =	vmul.f32 v47, v0;
	v55 =	vmul.f32 v5, v0;
	v14 =	vadd.f32 v14, v21  }
0x1f6: {  	v11 =	vmul.f32 v50, v6;
	v56 =	vadd.f32 v16, v22;
	v58 =	vadd.f32 v53, v12  }
0x1f7: {  	[tilespmem:s24+$0x0] =	vst v28;
	v1 =	vadd.f32 v51, v49;
	v59 =	vmul.f32 v52, v6;
	v60 =	vadd.f32 v54, v36  }
0x1f8: {  	s4 =	sadd.s32 $0x20, s4;
	[tilespmem:s26+$0xFFFFFFF0] =	vst v9;
	v0 =	vadd.f32 v55, v38;
	v3 =	vadd.f32 v57, v14;
	v61 =	vmul.f32 v58, v2  }
0x1f9: {  	s9 =	sadd.s32 $0x20, s9;
	v7 =	vadd.f32 v8, v7;
	[tilespmem:s4+$0x0] =	vst v17;
	v5 =	vadd.f32 v11, v56;
	v62 =	vmul.f32 v60, v2  }
0x1fa: {  	[tilespmem:s9+$0x0] =	vst v30;
	v1 =	vadd.f32 v59, v1;
	v0 =	vmul.f32 v0, v2;
	v3 =	vadd.f32 v61, v3  }
0x1fb: {  	[tilespmem:s25+$0xFFFFFFF0] =	vst v7;
	v63 =	vadd.f32 v62, v5  }
0x1fc: {  	v0 =	vadd.f32 v0, v1;
	[tilespmem:s24+$0xFFFFFFF0] =	vst v3  }
0x1fd: {  	s10 =	sadd.s32 $0x1, s10;
	[tilespmem:s4+$0xFFFFFFF0] =	vst v63  }
0x1fe: {  	s28 =	sadd.s32 s5, s13;
	p0 =	sne.s32 s10, $0x40;
	[tilespmem:s9+$0xFFFFFFF0] =	vst v0  }
0x1ff: {  	[hbm4b:s28+s3] =	stream.linear.scatter [tilespmem:s1], [sflag:$0x4], $0x400, $0x38;
	[tilespmem:$0x1D580] =	vst v63  }
.Ltmp2:
0x200: {  	_ = 	snop;
	(pc) =	sbr.rel @p0 .LBB2_2-.Ltmp2, $4  }
0x201: {  	s29 =	sadd.s32 s5, s14  }
0x202: {  	[hbm4b:s29+s3] =	stream.linear.scatter [tilespmem:s22], [sflag:$0x4], $0x400, $0x38;
	[tilespmem:$0x1D580] =	vst v63  }
0x203: {  	s30 =	sadd.s32 s5, s15  }
0x204: {  	[hbm4b:s30+s3] =	stream.linear.scatter [tilespmem:s23], [sflag:$0x4], $0x400, $0x38;
	[tilespmem:$0x1D580] =	vst v63  }
0x205: {  	s4 =	simm.s32 $0x3  }
0x206: {  	_ =	swait.ge [sflag:s4], $0x400  }
0x207: {  	[sflag:s4] =	ssyncset.done $0x0  }
0x208: {  	[sflag:s4] =	ssyncadd.s32 $0xFFFFFC00  }
0x209: {  	_ =	swait.ge [sflag:s4], $0x400  }
0x20a: {  	[sflag:s4] =	ssyncset.done $0x0  }
0x20b: {  	[sflag:s4] =	ssyncadd.s32 $0xFFFFFC00  }
0x20c: {  	_ =	swait.ge [sflag:s4], $0x400  }
0x20d: {  	[sflag:s4] =	ssyncset.done $0x0  }
0x20e: {  	s9 =	simm.s32 $0x4;
	[sflag:s4] =	ssyncadd.s32 $0xFFFFFC00  }
0x20f: {  	_ =	swait.ge [sflag:s9], $0x400  }
0x210: {  	[sflag:s9] =	ssyncset.done $0x0  }
0x211: {  	[sflag:s9] =	ssyncadd.s32 $0xFFFFFC00  }
0x212: {  	_ =	swait.ge [sflag:s9], $0x400  }
0x213: {  	[sflag:s9] =	ssyncset.done $0x0  }
0x214: {  	[sflag:s9] =	ssyncadd.s32 $0xFFFFFC00  }
0x215: {  	_ =	swait.ge [sflag:s9], $0x400  }
0x216: {  	s10 =	rddreg [dreg:$0xa]  }
0x217: {  	s30 =	rddreg [dreg:$0x9];
	s10 =	sadd.s32 $0x1, s10  }
0x218: {  	p0 =	sne.s32 s10, s30  }
.Ltmp3:
0x219: {  	_ = 	snop;
	(pc) =	sbr.rel @p0 .LBB2_1-.Ltmp3, $3  }
0x21a: {  	_ =	sdelay $0x1  }
0x21b: {  	[sflag:s9] =	ssyncset.done $0x0  }
0x21c: {  	[sflag:s9] =	ssyncadd.s32 $0xFFFFFC00  }
0x21d: {  	_ =	sfence.sel $0x180000  }
0x21e: {  	[bflag:$0x0] =	sbarrier.arrive $0xFFFF  }
0x21f: {  	_ =	strace $0x9000004A  }
0x220: {  	s0 =	stileid.u32;
	[bflag:$0x2] =	sbarrier.arrive $0xFFFF  }
0x221: {  	p0 =	sne.s32 s0, $0x0;
	s0 =	rddreg [dreg:$0x2]  }
0x222: {  	s0 =	sadd.s32 @!p0 $0x100000, s0  }
0x223: {  	[sflag:s0] =	ssyncadd.tile.s32 @!p0 $0x1;
	_ =	shalt  }
.Lfunc_end2:
_tile_overlayer_lowered:
.L_overlay_start_2:
0x224: {  	(tag) =	ssettag $0x2  }
0x225: {  	s0 =	rddreg [dreg:$0x0];
	s2 =	stileid.u32  }
0x226: {  	s1 =	rddreg [dreg:$0x1];
	p0 =	sne.s32 s2, $0x0  }
0x227: {  	s3 =	rddreg [dreg:$0x2];
	[bflag:$0x3] =	sbarrier.arrive $0xFFFF;
	s2 =	simm.s32 @!p0 $0x1C05  }
0x228: {  	[timem:s3], [sflag:s2] =	dma.local @!p0 [hbm:s0], s1  }
0x229: {  	s0 =	simm.s32 @!p0 $0x5  }
0x22a: {  	_ =	swait.ge @!p0 [sflag:s0], s1  }
0x22b: {  	s1 =	ssub.s32 @!p0 $0x0, s1;
	[sflag:s0] =	ssyncset.done @!p0 $0x0  }
0x22c: {  	[sflag:s0] =	ssyncadd.s32 @!p0 s1  }
0x22d: {  	[bflag:$0x3] =	sbarrier.arrive $0xFFFF  }
0x22e: {  	_ =	shalt  }

// kernel: sparse-core-data-format-call.cloned.1.call-start
scs
called_computation_lowered:
.L_overlay_start_0:
0x0: {  	s2 =	sld [smem:$0x3FD9]  }
0x1: {  	s3 =	sld [smem:$0x3FFE];
	_ =	sdelay $0x1  }
0x2: {  	s1 =	srdreg.scid  }
0x3: {  	s0 =	sand.u32 $0x1, s1  }
0x4: {  	s19 =	sshll.u32 s0, $0xA;
	s2 =	sadd.s32 s3, s2  }
0x5: {  	s2 =	sadd.s32 s2, s19  }
0x6: {  	[smem:$0x3FC6] =	sst s2  }
0x7: {  	_ = 	snop  }
0x8: {  	s2 =	sld [smem:$0x3FC8]  }
0x9: {  	s20 =	sld [smem:$0x3FD0];
	(tm) =	ssettm $0x1  }
0xa: {  	s4 =	sld [smem:$0x3FFB];
	_ =	sdelay $0x3  }
0xb: {  	_ =	strace s4  }
0xc: {  	s4 =	sld [smem:$0x3FFC];
	_ =	sdelay $0x3  }
0xd: {  	_ =	strace s4  }
0xe: {  	s4 =	sld [smem:$0x3FFD];
	_ =	sdelay $0x3  }
0xf: {  	_ =	strace s4  }
0x10: {  	_ =	strace $0x8FFFFFFF  }
0x11: {  	s21 =	sld [smem:$0x3FDB];
	_ =	sdelay $0x1  }
0x12: {  	s5 =	simm.s32 $_scs_section_size  }
0x13: {  	s6 =	simm.s32 $_size__tile_overlayer_lowered;
	s7 =	simm.s32 $_tile_overlayer_lowered  }
0x14: {  	s24 =	simm.s32 $0x1BFF;
	s23 =	sshll.u32 s7, $0x1;
	s4 =	sadd.s32 s5, s21  }
0x15: {  	s8 =	simm.s32 $0x0;
	s22 =	sshll.u32 s6, $0x1;
	s6 =	sadd.s32 s23, s4  }
0x16: {  	[timem:s8], [sflag:s24] =	dma.local [hbm:s6], s22  }
0x17: {  	_ =	swait.ge [sflag:s24], s22  }
0x18: {  	s5 =	ssub.s32 $0x0, s22;
	[sflag:s24] =	ssyncset.done $0x0  }
0x19: {  	[sflag:s24] =	ssyncadd.s32 s5;
	_ =	sdelay $0x1  }
0x1a: {  	s25 =	simm.s32 $0x1B8B  }
0x1b: {  	_ =	swait.ge [sflag:s25], $0x1  }
0x1c: {  	[sflag:s25] =	ssyncset.done $0x0  }
0x1d: {  	s26 =	simm.s32 $0x1B8E;
	[sflag:s25] =	ssyncadd.s32 $0xFFFFFFFF  }
0x1e: {  	s27 =	simm.s32 $execute0_lowered;
	[smem:$0x3FD2] =	sst s26  }
0x1f: {  	s5 =	sshll.u32 s27, $0x1;
	_ =	strace $0x80000046;
	[dreg:$0x1] =	wrdreg $0xFFFFFFFF  }
0x20: {  	s28 =	simm.s32 $_size_execute0_lowered;
	s4 =	sadd.s32 s4, s5;
	[dreg:$0x0] =	wrdreg $0x0  }
0x21: {  	s5 =	sshll.u32 s28, $0x1;
	[dreg:$0x2] =	wrdreg s4  }
0x22: {  	[dreg:$0x3] =	wrdreg s5  }
0x23: {  	[dreg:$0x4] =	wrdreg $0xC0  }
0x24: {  	_ =	task [dreg:s8], $0x5FFFF  }
0x25: {  	[dreg:$0x1] =	wrdreg $0xFFFFFFFF  }
0x26: {  	[dreg:$0x0] =	wrdreg $0x60  }
0x27: {  	[dreg:$0x2] =	wrdreg s2  }
0x28: {  	[dreg:$0x3] =	wrdreg s20  }
0x29: {  	[dreg:$0x4] =	wrdreg $0x9  }
0x2a: {  	_ =	task.clear_ibuf [dreg:s8], $0x5FFFF;
	_ =	strace $0x90000046  }
0x2b: {  	s29 =	simm.s32 $0x9;
	_ =	strace $0x80000048  }
0x2c: {  	_ =	swait.ge [sflag:s29], $0x1  }
0x2d: {  	[sflag:s29] =	ssyncadd.s32 $0xFFFFFFFF  }
0x2e: {  	_ =	strace $0x90000048  }
0x2f: {  	_ =	sfence  }
0x30: {  	s30 =	sld [smem:$0x0];
	_ =	sdelay $0x2  }
0x31: {  	s31 =	sshll.u32 s1, $0xD;
	s1 =	sshrl.u32 s1, $0x2  }
0x32: {  	s3 =	sand.u32 $0x4000, s31;
	s1 =	sadd.s32 s1, s30  }
0x33: {  	s0 =	sor.u32 s3, s0;
	s1 =	sshll.u32 s1, $0x11  }
0x34: {  	s0 =	sor.u32 s1, s0  }
0x35: {  	s0 =	sadd.s32 $0x8F2B, s0  }
0x36: {  	[sflag:s0] =	ssyncadd.remote.s32 $0x1  }
0x37: {  	_ =	sfence.sel $0xFFFF  }
0x38: {  	[dreg:$0x0] =	wrdreg $0xFFFFFFFF;
	(pc) =	sbr.abs _section_cstart, $3  }
0x39: {  	[dreg:$0x1] =	wrdreg $0xFFFFFFFF  }
0x3a: {  	_ =	task.clear_ibuf [dreg:s8], $0x2FFFF;
	_ =	strace $0x9FFFFFFF  }
0x3b: {  	(tm) =	ssettm $0x7FFFFFFF  }
tec
execute0_lowered:
.L_overlay_start_1:
0x0: {  	(tag) =	ssettag $0x1  }
0x1: {  	s0 =	srdreg.scid  }
0x2: {  	s1 =	sshll.u32 s0, $0x4  }
0x3: {  	s2 =	rddreg [dreg:$0x0];
	s0 =	stileid.u32;
	s1 =	sand.u32 $0x10, s1  }
0x4: {  	s4 =	rddreg [dreg:$0x1];
	s1 =	sor.u32 s0, s1  }
0x5: {  	s7 =	simm.s32 $0x1;
	s8 =	simm.s32 $0x2;
	s3 =	sshll.u32 s1, $0x2  }
0x6: {  	s9 =	simm.s32 $0x0;
	s12 =	simm.s32 $0x0;
	s6 =	ssub.s32 $0xC00, s3  }
.Ltmp0:
0x7: {  	s11 =	simm.s32 $0x0;
	s5 =	sand.u32 $0x7C, s6;
	(pc) =	sbr.rel .LBB1_1-.Ltmp0, $4  }
0x8: {  	s1 =	rddreg [dreg:$0x2];
	_ =	strace $0x80000047;
	p0 =	sne.s32 s5, $0x0  }
0x9: {  	s6 =	sshrl.u32 s6, $0x7;
	s5 =	simm.s32 $0x1;
	s7 =	simm.s32 @!p0 $0x0  }
0xa: {  	s10 =	smov.u32 s3;
	[sflag:s5] =	ssyncpa.u1 $0x0;
	s6 =	sadd.s32 s7, s6  }
0xb: {  	[sflag:s8] =	ssyncpa.u1 $0x0;
	s8 =	simm.s32 $0x0;
	s7 =	sadd.s32 $0x1, s6  }
.LBB1_9:
0xc: {  	s14 =	sadd.s32 $0x80, s10  }
0xd: {  	p1 =	sgt.s32 s14, $0xBFF  }
0xe: {  	s14 =	smov.u32 @p1 s3;
	p1 =	sne.s32 s11, s7  }
.Ltmp1:
0xf: {  	p0 =	slt.u32 s11, $0x2;
	(pc) =	sbr.rel @!p1 .LBB1_10-.Ltmp1, $4  }
0x10: {  	s13 =	simm.s32 @!p0 $0x2  }
0x11: {  	s15 =	sadd.s32 $0x1, s11;
	_ =	swait.ge @!p0 [sflag:s13], $0x4000  }
0x12: {  	s12 =	smov.u32 s10;
	s9 =	sadd.s32 $0x4000, s9;
	[sflag:s13] =	ssyncset.done @!p0 $0x0  }
0x13: {  	s11 =	smov.u32 s15;
	s10 =	smov.u32 s14;
	[sflag:s13] =	ssyncadd.s32 @!p0 $0xFFFFC000  }
.LBB1_1:
0x14: {  	p0 =	sge.u32 s11, s6  }
0x15: {  	s13 =	sxor.u32 @!p0 $0xFFFFFFFF, s11  }
0x16: {  	s31 =	sadd.s32 $0xFFFFFFFF, s11;
	s14 =	sshll.u32 @!p0 s10, $0x9;
	s13 =	sshll.u32 @!p0 s13, $0xE  }
0x17: {  	s15 =	simm.s32 @!p0 $0x0;
	s14 =	sadd.s32 @!p0 s2, s14;
	s13 =	sand.u32 @!p0 $0x4000, s13  }
0x18: {  	[tilespmem:s13], [sflag:$0x1] =	stream.linear.gather @!p0 [hbm4b:s14+s15], $0x4000, $0x38;
	[tilespmem:$0x10000] =	vst v63  }
0x19: {  	p0 =	sge.u32 s31, s6  }
.Ltmp2:
0x1a: {  	_ = 	snop;
	(pc) =	sbr.rel @p0 .LBB1_9-.Ltmp2, $1  }
0x1b: {  	_ =	sdelay $0x3  }
0x1c: {  	s14 =	sand.u32 $0x4000, s9  }
0x1d: {  	_ =	swait.ge [sflag:s5], $0x4000;
	s15 =	sshll.u32 s11, $0xE;
	s16 =	simm.s32 $0x0  }
0x1e: {  	s13 =	sor.u32 $0x40, s14;
	[sflag:s5] =	ssyncset.done $0x0;
	s15 =	sand.u32 $0x4000, s15  }
0x1f: {  	s14 =	sor.u32 $0x8040, s14;
	[sflag:s5] =	ssyncadd.s32 $0xFFFFC000;
	s15 =	sor.u32 $0x8000, s15  }
.LBB1_3:
0x20: {  	s17 =	smov.u32 s14;
	s18 =	smov.u32 s13;
	s19 =	simm.s32 $0x0  }
.LBB1_4:
0x21: {  	v0 =	vmov s17;
	v2 =	vld [tilespmem:s18+$0x30]  }
0x22: {  	v4 =	vld [tilespmem:s18+$0xFFFFFFD0]  }
0x23: {  	v6 =	vld [tilespmem:s18+$0xFFFFFFE0]  }
0x24: {  	v7 =	vld [tilespmem:s18+$0xFFFFFFF0]  }
0x25: {  	s20 =	simm.s32 $0x0;
	v1 =	vld [tilespmem:s18+$0x0]  }
0x26: {  	v3 =	vld [tilespmem:s18+$0x10];
	[tilespmem:v0+s20+$0x30 ss:$0x1] =	vst.idx.msk $0xffff, v2  }
0x27: {  	v5 =	vld [tilespmem:s18+$0x20];
	[tilespmem:v0+s20+$0xFFFFFFD0 ss:$0x1] =	vst.idx.msk $0xffff, v4  }
0x28: {  	s21 =	sadd.s32 $0x80, s18;
	v2 =	vld [tilespmem:s18+$0xFFFFFFC0];
	[tilespmem:v0+s20+$0xFFFFFFE0 ss:$0x1] =	vst.idx.msk $0xffff, v6  }
0x29: {  	s22 =	simm.s32 $0x800;
	s23 =	simm.s32 $0x1000;
	v4 =	vld [tilespmem:s21+$0x30];
	[tilespmem:v0+s20+$0xFFFFFFF0 ss:$0x1] =	vst.idx.msk $0xffff, v7  }
.LBB1_5:
0x2a: {  	p0 =	sne.s32 s23, $0x3800;
	v6 =	vld [tilespmem:s21+$0xFFFFFFD0];
	[tilespmem:v0+s20+$0x0 ss:$0x1] =	vst.idx.msk $0xffff, v1  }
0x2b: {  	v7 =	vld [tilespmem:s21+$0xFFFFFFE0];
	[tilespmem:v0+s20+$0x10 ss:$0x1] =	vst.idx.msk $0xffff, v3  }
0x2c: {  	v8 =	vld [tilespmem:s21+$0xFFFFFFF0];
	[tilespmem:v0+s20+$0x20 ss:$0x1] =	vst.idx.msk $0xffff, v5  }
.Ltmp3:
0x2d: {  	v1 =	vld [tilespmem:s21+$0x0];
	[tilespmem:v0+s20+$0xFFFFFFC0 ss:$0x1] =	vst.idx.msk $0xffff, v2;
	s20 =	sshra.s32 s22, $0x2;
	s22 =	smov.u32 s23;
	(pc) =	sbr.rel @p0 .LBB1_5-.Ltmp3, $4  }
0x2e: {  	v3 =	vld [tilespmem:s21+$0x10];
	[tilespmem:v0+s20+$0x30 ss:$0x1] =	vst.idx.msk $0xffff, v4  }
0x2f: {  	[tilespmem:v0+s20+$0xFFFFFFD0 ss:$0x1] =	vst.idx.msk $0xffff, v6;
	v5 =	vld [tilespmem:s21+$0x20]  }
0x30: {  	v2 =	vld [tilespmem:s21+$0xFFFFFFC0];
	[tilespmem:v0+s20+$0xFFFFFFE0 ss:$0x1] =	vst.idx.msk $0xffff, v7;
	s21 =	sadd.s32 $0x80, s21  }
0x31: {  	s23 =	sadd.s32 $0x800, s23;
	v4 =	vld [tilespmem:s21+$0x30];
	[tilespmem:v0+s20+$0xFFFFFFF0 ss:$0x1] =	vst.idx.msk $0xffff, v8  }
0x32: {  	_ =	sdelay $0x3  }
0x33: {  	v6 =	vld [tilespmem:s21+$0xFFFFFFD0];
	[tilespmem:v0+s20+$0x0 ss:$0x1] =	vst.idx.msk $0xffff, v1  }
0x34: {  	v58 =	vld [tilespmem:s21+$0xFFFFFFE0];
	[tilespmem:v0+s20+$0x10 ss:$0x1] =	vst.idx.msk $0xffff, v3  }
0x35: {  	v59 =	vld [tilespmem:s21+$0xFFFFFFF0];
	[tilespmem:v0+s20+$0x20 ss:$0x1] =	vst.idx.msk $0xffff, v5  }
0x36: {  	s22 =	sshra.s32 s22, $0x2;
	v60 =	vld [tilespmem:s21+$0x0];
	[tilespmem:v0+s20+$0xFFFFFFC0 ss:$0x1] =	vst.idx.msk $0xffff, v2  }
0x37: {  	v61 =	vld [tilespmem:s21+$0x10];
	[tilespmem:v0+s22+$0x30 ss:$0x1] =	vst.idx.msk $0xffff, v4  }
0x38: {  	v62 =	vld [tilespmem:s21+$0x20];
	s19 =	sadd.s32 $0x1, s19;
	[tilespmem:v0+s22+$0xFFFFFFD0 ss:$0x1] =	vst.idx.msk $0xffff, v6  }
0x39: {  	v63 =	vld [tilespmem:s21+$0xFFFFFFC0];
	p0 =	sne.s32 s19, $0x4;
	[tilespmem:v0+s22+$0xFFFFFFE0 ss:$0x1] =	vst.idx.msk $0xffff, v58  }
.Ltmp4:
0x3a: {  	[tilespmem:v0+s22+$0xFFFFFFF0 ss:$0x1] =	vst.idx.msk $0xffff, v59;
	(pc) =	sbr.rel @p0 .LBB1_4-.Ltmp4, $4  }
0x3b: {  	[tilespmem:v0+s22+$0x0 ss:$0x1] =	vst.idx.msk $0xffff, v60  }
0x3c: {  	[tilespmem:v0+s22+$0x10 ss:$0x1] =	vst.idx.msk $0xffff, v61  }
0x3d: {  	[tilespmem:v0+s22+$0x20 ss:$0x1] =	vst.idx.msk $0xffff, v62  }
0x3e: {  	s18 =	sadd.s32 $0x400, s18;
	s17 =	sadd.s32 $0x80, s17;
	[tilespmem:v0+s22+$0xFFFFFFC0 ss:$0x1] =	vst.idx.msk $0xffff, v63  }
0x3f: {  	s16 =	sadd.s32 $0x1, s16  }
0x40: {  	p0 =	sne.s32 s16, $0x4  }
.Ltmp5:
0x41: {  	_ = 	snop;
	(pc) =	sbr.rel @p0 .LBB1_3-.Ltmp5, $2  }
0x42: {  	_ =	sdelay $0x2  }
0x43: {  	s13 =	sadd.s32 $0x1000, s13;
	s14 =	sadd.s32 $0x1000, s14  }
.Ltmp6:
0x44: {  	(pc) =	sbr.rel .LBB1_9-.Ltmp6, $4  }
0x45: {  	_ = 	snop  }
0x46: {  	s12 =	sshll.u32 s12, $0x9  }
0x47: {  	s12 =	sadd.s32 s4, s12  }
0x48: {  	[hbm4b:s12+s8] =	stream.linear.scatter [tilespmem:s15], [sflag:$0x2], $0x4000, $0x38;
	[tilespmem:$0x10000] =	vst v63  }
.LBB1_10:
0x49: {  	_ =	sfence.sel $0x180000  }
0x4a: {  	s2 =	simm.s32 $0x1;
	[bflag:$0x0] =	sbarrier.arrive $0xFFFF  }
0x4b: {  	s31 =	simm.s32 $0x2;
	[sflag:s2] =	ssyncpa.u1 $0x1  }
0x4c: {  	[sflag:s31] =	ssyncpa.u1 $0x1  }
0x4d: {  	p0 =	sne.s32 s0, $0x0;
	_ =	strace $0x90000047  }
0x4e: {  	s0 =	sadd.s32 @!p0 $0x100000, s1;
	[bflag:$0x2] =	sbarrier.arrive $0xFFFF  }
0x4f: {  	[sflag:s0] =	ssyncadd.tile.s32 @!p0 $0x1;
	_ =	shalt  }
.Lfunc_end1:
_tile_overlayer_lowered:
.L_overlay_start_2:
0x50: {  	(tag) =	ssettag $0x2  }
0x51: {  	s0 =	rddreg [dreg:$0x0];
	s2 =	stileid.u32  }
0x52: {  	s1 =	rddreg [dreg:$0x1];
	p0 =	sne.s32 s2, $0x0  }
0x53: {  	s3 =	rddreg [dreg:$0x2];
	[bflag:$0x3] =	sbarrier.arrive $0xFFFF;
	s2 =	simm.s32 @!p0 $0x1C01  }
0x54: {  	[timem:s3], [sflag:s2] =	dma.local @!p0 [hbm:s0], s1  }
0x55: {  	s0 =	simm.s32 @!p0 $0x1  }
0x56: {  	_ =	swait.ge @!p0 [sflag:s0], s1  }
0x57: {  	s1 =	ssub.s32 @!p0 $0x0, s1;
	[sflag:s0] =	ssyncset.done @!p0 $0x0  }
0x58: {  	[sflag:s0] =	ssyncadd.s32 @!p0 s1  }
0x59: {  	[bflag:$0x3] =	sbarrier.arrive $0xFFFF  }
0x5a: {  	_ =	shalt  }

</sc_bundles>
